<compile_context>
chip_gen: v7x
topology: tpu7x:2x2x1
jax: 0.10.2.dev20260603
libtpu: 0.0.44.dev20260713+nightly
codegen_flags: <defaults>
</compile_context>

<pallas_src>
import jax
import jax.numpy as jnp
from jax import lax
from jax.experimental import pallas as pl
from jax.experimental.pallas import tpu as pltpu
from jax.experimental.pallas import tpu_sc as plsc

D = 64
S = 200
NW = 32
SUB = 100
SEQ_PER_CHUNK = 2
CHUNK = SEQ_PER_CHUNK * S
SUBS_PER_CHUNK = CHUNK // SUB


def _body(xf_hbm, table_hbm, pe_hbm, out_hbm,
          idx_v, pe_v, rows0, rows1, gsem0, gsem1):
    nsub = xf_hbm.shape[1]
    rows_per_worker = nsub * SUB
    nchunk = rows_per_worker // CHUNK

    wid = lax.axis_index("s") * 2 + lax.axis_index("c")
    base = wid * rows_per_worker
    bseq = wid * (rows_per_worker // S)

    pltpu.sync_copy(xf_hbm.at[wid], idx_v)
    pltpu.sync_copy(pe_hbm, pe_v)

    def gather_chunk(c, buf, sem):
        for k in range(SUBS_PER_CHUNK):
            pltpu.async_copy(
                table_hbm.at[idx_v.at[c * SUBS_PER_CHUNK + k]],
                buf.at[k // 2, pl.ds((k % 2) * SUB, SUB)],
                sem,
            )

    def drain_chunk(buf, sem):
        for k in range(SUBS_PER_CHUNK):
            pltpu.make_async_copy(
                table_hbm.at[idx_v.at[k]],
                buf.at[k // 2, pl.ds((k % 2) * SUB, SUB)],
                sem,
            ).wait()

    def add_pe(buf):
        def jbody(j, carry):
            for c2 in range(SEQ_PER_CHUNK):
                for k in range(D // 16):
                    pv = pe_v[j, pl.ds(k * 16, 16)]
                    plsc.addupdate(buf.at[c2, j, pl.ds(k * 16, 16)], pv)
            return carry
        lax.fori_loop(0, S, jbody, 0)

    gather_chunk(0, rows0, gsem0)

    def pair_body(t, carry):
        c0 = 2 * t
        gather_chunk(c0 + 1, rows1, gsem1)
        drain_chunk(rows0, gsem0)
        add_pe(rows0)
        pltpu.sync_copy(rows0, out_hbm.at[pl.ds(bseq + c0 * SEQ_PER_CHUNK, SEQ_PER_CHUNK)])

        @pl.when(t < nchunk // 2 - 1)
        def _():
            gather_chunk(c0 + 2, rows0, gsem0)

        drain_chunk(rows1, gsem1)
        add_pe(rows1)
        pltpu.sync_copy(rows1, out_hbm.at[pl.ds(bseq + (c0 + 1) * SEQ_PER_CHUNK, SEQ_PER_CHUNK)])
        return carry

    lax.fori_loop(0, nchunk // 2, pair_body, 0)


def kernel(x, table, pe):
    b, s = x.shape
    rows = b * s
    nsub = rows // (NW * SUB)
    xf = x.reshape(NW, nsub, SUB)
    pe_s = pe[:s]

    mesh = plsc.VectorSubcoreMesh(core_axis_name="c", subcore_axis_name="s")
    out = pl.kernel(
        _body,
        out_type=jax.ShapeDtypeStruct((b, s, D), jnp.float32),
        mesh=mesh,
        compiler_params=pltpu.CompilerParams(use_tc_tiling_on_sc=False),
        scratch_types=[
            pltpu.VMEM((nsub, SUB), jnp.int32),
            pltpu.VMEM((S, D), jnp.float32),
            pltpu.VMEM((SEQ_PER_CHUNK, S, D), jnp.float32),
            pltpu.VMEM((SEQ_PER_CHUNK, S, D), jnp.float32),
            pltpu.SemaphoreType.DMA,
            pltpu.SemaphoreType.DMA,
        ],
    )(xf, table, pe_s)
    return out

# --- scband reference (transcript-rebuilt; emitter-appended) ---
"""Pipeline reference for scband-input-embedding-25211458027766 (READ-ONLY COPY).

The authoritative reference and input builder live on the scoring server;
editing this copy changes nothing except your own understanding.
"""

import jax, jax.numpy as jnp
import numpy as np

VOCAB = 1000000
D_MODEL = 64
MAX_LEN = 200
BATCH = 1024
SEQ = 200


def _make_pe(max_len, d_model):
    pos = np.arange(max_len, dtype=np.float32)[:, None]
    div = np.exp(np.arange(0, d_model, 2, dtype=np.float32) * (-np.log(10000.0) / d_model))
    pe = np.zeros((max_len, d_model), dtype=np.float32)
    pe[:, 0::2] = np.sin(pos * div)
    pe[:, 1::2] = np.cos(pos * div)
    return jnp.asarray(pe)


def setup_inputs(seed: int = 0):
    key = jax.random.key(seed)
    k1, k2 = jax.random.split(key)
    x = jax.random.randint(k1, (BATCH, SEQ), 0, VOCAB, dtype=jnp.int32)
    table = jax.random.normal(k2, (VOCAB, D_MODEL), dtype=jnp.float32)
    pe = _make_pe(MAX_LEN, D_MODEL)
    return {"x": x, "table": table, "pe": pe}


def reference(x, table, pe):
    # tok_emb = Embedding(x): gather rows of the table
    tok_emb = jnp.take(table, x, axis=0)  # (B, S, D)
    # pos_emb = PositionalEncoding(x): sinusoidal, sliced to seq length
    pos_emb = pe[: x.shape[1]][None, :, :]  # (1, S, D)
    # dropout is identity in eval mode
    return tok_emb + pos_emb

if __name__ == "__main__":
    import jax
    _d = setup_inputs()
    print(jax.jit(kernel)(*tuple(_d.values())))

</pallas_src>

<mosaic_0001>
#map = affine_map<(d0, d1) -> (0, 0, 0)>
#map1 = affine_map<(d0, d1) -> (0, 0)>
module attributes {stable_mosaic.version = 14 : i64} {
  func.func @_body(%arg0: i32, %arg1: i32, %arg2: memref<32x64x100xi32, #tpu.memory_space<hbm>>, %arg3: memref<1000000x64xf32, #tpu.memory_space<hbm>>, %arg4: memref<200x64xf32, #tpu.memory_space<hbm>>, %arg5: memref<1024x200x64xf32, #tpu.memory_space<hbm>>, %arg6: memref<64x100xi32, #tpu.memory_space<vmem>>, %arg7: memref<200x64xf32, #tpu.memory_space<vmem>>, %arg8: memref<2x200x64xf32, #tpu.memory_space<vmem>>, %arg9: memref<2x200x64xf32, #tpu.memory_space<vmem>>, %arg10: memref<!tpu.dma_semaphore, #tpu.memory_space<semaphore_mem>>, %arg11: memref<!tpu.dma_semaphore, #tpu.memory_space<semaphore_mem>>) attributes {dimension_semantics = [#tpu.dimension_semantics<core_parallel>, #tpu.dimension_semantics<subcore_parallel>], iteration_bounds = array<i64: 2, 16>, scalar_prefetch = 0 : i64, scratch_operands = 6 : i64, tpu.core_type = #tpu.core_type<sc_vector_subcore>, window_params = [{transform_indices = #map}, {transform_indices = #map1}, {transform_indices = #map1}, {transform_indices = #map}]} {
    %mul3A = arith.constant 2 : i32
    %mul3A_0 = arith.muli %arg1, %mul3A : i32
    %add3A = arith.addi %mul3A_0, %arg0 : i32
    %mul3A_1 = arith.constant 6400 : i32
    %mul3A_2 = arith.muli %add3A, %mul3A_1 : i32
    %mul3A_3 = arith.constant 32 : i32
    %mul3A_4 = arith.muli %add3A, %mul3A_3 : i32
    "tpu.region"() ({
      %run_scoped3A = tpu.sem_alloc : memref<!tpu.dma_semaphore, #tpu.memory_space<semaphore_mem>>
      %dma_start3A_57 = arith.constant 0 : i32
      %dma_start3A_58 = arith.constant 0 : i32
      %dma_start3A_59 = tpu.memref_slice %arg2[%add3A, %dma_start3A_57, %dma_start3A_58] : memref<32x64x100xi32, #tpu.memory_space<hbm>> -> memref<1x64x100xi32, #tpu.memory_space<hbm>>
      %dma_start3A_60 = tpu.memref_squeeze %dma_start3A_59 : memref<1x64x100xi32, #tpu.memory_space<hbm>> -> memref<64x100xi32, #tpu.memory_space<hbm>>
      %dma_start3A_61 = arith.constant 0 : i32
      %dma_start3A_62 = arith.constant 0 : i32
      %dma_start3A_63 = tpu.memref_slice %arg2[%add3A, %dma_start3A_61, %dma_start3A_62] : memref<32x64x100xi32, #tpu.memory_space<hbm>> -> memref<1x64x100xi32, #tpu.memory_space<hbm>>
      %dma_start3A_64 = tpu.memref_squeeze %dma_start3A_63 : memref<1x64x100xi32, #tpu.memory_space<hbm>> -> memref<64x100xi32, #tpu.memory_space<hbm>>
      tpu.enqueue_dma source(%dma_start3A_64 : memref<64x100xi32, #tpu.memory_space<hbm>>) target(%arg6 : memref<64x100xi32, #tpu.memory_space<vmem>>) target_semaphore(%run_scoped3A : memref<!tpu.dma_semaphore, #tpu.memory_space<semaphore_mem>>)
      %dma_wait3A = arith.constant 0 : i32
      %dma_wait3A_65 = arith.constant 0 : i32
      %dma_wait3A_66 = tpu.memref_slice %arg2[%add3A, %dma_wait3A, %dma_wait3A_65] : memref<32x64x100xi32, #tpu.memory_space<hbm>> -> memref<1x64x100xi32, #tpu.memory_space<hbm>>
      %dma_wait3A_67 = tpu.memref_squeeze %dma_wait3A_66 : memref<1x64x100xi32, #tpu.memory_space<hbm>> -> memref<64x100xi32, #tpu.memory_space<hbm>>
      %dma_wait3A_68 = arith.constant 0 : i32
      %dma_wait3A_69 = arith.constant 0 : i32
      %dma_wait3A_70 = tpu.memref_slice %arg2[%add3A, %dma_wait3A_68, %dma_wait3A_69] : memref<32x64x100xi32, #tpu.memory_space<hbm>> -> memref<1x64x100xi32, #tpu.memory_space<hbm>>
      %dma_wait3A_71 = tpu.memref_squeeze %dma_wait3A_70 : memref<1x64x100xi32, #tpu.memory_space<hbm>> -> memref<64x100xi32, #tpu.memory_space<hbm>>
      tpu.wait_dma2 semaphore(%run_scoped3A : memref<!tpu.dma_semaphore, #tpu.memory_space<semaphore_mem>>) src(%dma_wait3A_71 : memref<64x100xi32, #tpu.memory_space<hbm>>) dst(%arg6 : memref<64x100xi32, #tpu.memory_space<vmem>>)
      tpu.yield
    }) : () -> ()
    "tpu.region"() ({
      %run_scoped3A = tpu.sem_alloc : memref<!tpu.dma_semaphore, #tpu.memory_space<semaphore_mem>>
      tpu.enqueue_dma source(%arg4 : memref<200x64xf32, #tpu.memory_space<hbm>>) target(%arg7 : memref<200x64xf32, #tpu.memory_space<vmem>>) target_semaphore(%run_scoped3A : memref<!tpu.dma_semaphore, #tpu.memory_space<semaphore_mem>>)
      tpu.wait_dma2 semaphore(%run_scoped3A : memref<!tpu.dma_semaphore, #tpu.memory_space<semaphore_mem>>) src(%arg4 : memref<200x64xf32, #tpu.memory_space<hbm>>) dst(%arg7 : memref<200x64xf32, #tpu.memory_space<vmem>>)
      tpu.yield
    }) : () -> ()
    %dma_start3A = arith.constant 0 : i32
    %dma_start3A_5 = arith.constant 0 : i32
    %dma_start3A_6 = arith.constant 0 : i32
    %dma_start3A_7 = arith.constant 0 : i32
    %dma_start3A_8 = tpu.memref_slice %arg8[%dma_start3A_5, %dma_start3A_6, %dma_start3A_7] : memref<2x200x64xf32, #tpu.memory_space<vmem>> -> memref<1x100x64xf32, #tpu.memory_space<vmem>>
    %dma_start3A_9 = tpu.memref_squeeze %dma_start3A_8 : memref<1x100x64xf32, #tpu.memory_space<vmem>> -> memref<100x64xf32, #tpu.memory_space<vmem>>
    %dma_start3A_10 = arith.constant 0 : i32
    %dma_start3A_11 = tpu.memref_slice %arg6[%dma_start3A, %dma_start3A_10] : memref<64x100xi32, #tpu.memory_space<vmem>> -> memref<1x100xi32, #tpu.memory_space<vmem>>
    %dma_start3A_12 = tpu.memref_squeeze %dma_start3A_11 : memref<1x100xi32, #tpu.memory_space<vmem>> -> memref<100xi32, #tpu.memory_space<vmem>>
    %dma_start3A_13 = arith.constant 0 : i32
    %dma_start3A_14 = arith.constant 0 : i32
    %dma_start3A_15 = tpu.memref_slice %arg3[%dma_start3A_13, %dma_start3A_14] : memref<1000000x64xf32, #tpu.memory_space<hbm>> -> memref<1000000x64xf32, #tpu.memory_space<hbm>>
    tpu.enqueue_indirect_dma source(%dma_start3A_15 : memref<1000000x64xf32, #tpu.memory_space<hbm>>) target(%dma_start3A_9 : memref<100x64xf32, #tpu.memory_space<vmem>>) offsets(%dma_start3A_12 : memref<100xi32, #tpu.memory_space<vmem>>) semaphore(%arg10 : memref<!tpu.dma_semaphore, #tpu.memory_space<semaphore_mem>>)
    %dma_start3A_16 = arith.constant 1 : i32
    %dma_start3A_17 = arith.constant 0 : i32
    %dma_start3A_18 = arith.constant 100 : i32
    %dma_start3A_19 = arith.constant 0 : i32
    %dma_start3A_20 = tpu.memref_slice %arg8[%dma_start3A_17, %dma_start3A_18, %dma_start3A_19] : memref<2x200x64xf32, #tpu.memory_space<vmem>> -> memref<1x100x64xf32, #tpu.memory_space<vmem>>
    %dma_start3A_21 = tpu.memref_squeeze %dma_start3A_20 : memref<1x100x64xf32, #tpu.memory_space<vmem>> -> memref<100x64xf32, #tpu.memory_space<vmem>>
    %dma_start3A_22 = arith.constant 0 : i32
    %dma_start3A_23 = tpu.memref_slice %arg6[%dma_start3A_16, %dma_start3A_22] : memref<64x100xi32, #tpu.memory_space<vmem>> -> memref<1x100xi32, #tpu.memory_space<vmem>>
    %dma_start3A_24 = tpu.memref_squeeze %dma_start3A_23 : memref<1x100xi32, #tpu.memory_space<vmem>> -> memref<100xi32, #tpu.memory_space<vmem>>
    %dma_start3A_25 = arith.constant 0 : i32
    %dma_start3A_26 = arith.constant 0 : i32
    %dma_start3A_27 = tpu.memref_slice %arg3[%dma_start3A_25, %dma_start3A_26] : memref<1000000x64xf32, #tpu.memory_space<hbm>> -> memref<1000000x64xf32, #tpu.memory_space<hbm>>
    tpu.enqueue_indirect_dma source(%dma_start3A_27 : memref<1000000x64xf32, #tpu.memory_space<hbm>>) target(%dma_start3A_21 : memref<100x64xf32, #tpu.memory_space<vmem>>) offsets(%dma_start3A_24 : memref<100xi32, #tpu.memory_space<vmem>>) semaphore(%arg10 : memref<!tpu.dma_semaphore, #tpu.memory_space<semaphore_mem>>)
    %dma_start3A_28 = arith.constant 2 : i32
    %dma_start3A_29 = arith.constant 1 : i32
    %dma_start3A_30 = arith.constant 0 : i32
    %dma_start3A_31 = arith.constant 0 : i32
    %dma_start3A_32 = tpu.memref_slice %arg8[%dma_start3A_29, %dma_start3A_30, %dma_start3A_31] : memref<2x200x64xf32, #tpu.memory_space<vmem>> -> memref<1x100x64xf32, #tpu.memory_space<vmem>>
    %dma_start3A_33 = tpu.memref_squeeze %dma_start3A_32 : memref<1x100x64xf32, #tpu.memory_space<vmem>> -> memref<100x64xf32, #tpu.memory_space<vmem>>
    %dma_start3A_34 = arith.constant 0 : i32
    %dma_start3A_35 = tpu.memref_slice %arg6[%dma_start3A_28, %dma_start3A_34] : memref<64x100xi32, #tpu.memory_space<vmem>> -> memref<1x100xi32, #tpu.memory_space<vmem>>
    %dma_start3A_36 = tpu.memref_squeeze %dma_start3A_35 : memref<1x100xi32, #tpu.memory_space<vmem>> -> memref<100xi32, #tpu.memory_space<vmem>>
    %dma_start3A_37 = arith.constant 0 : i32
    %dma_start3A_38 = arith.constant 0 : i32
    %dma_start3A_39 = tpu.memref_slice %arg3[%dma_start3A_37, %dma_start3A_38] : memref<1000000x64xf32, #tpu.memory_space<hbm>> -> memref<1000000x64xf32, #tpu.memory_space<hbm>>
    tpu.enqueue_indirect_dma source(%dma_start3A_39 : memref<1000000x64xf32, #tpu.memory_space<hbm>>) target(%dma_start3A_33 : memref<100x64xf32, #tpu.memory_space<vmem>>) offsets(%dma_start3A_36 : memref<100xi32, #tpu.memory_space<vmem>>) semaphore(%arg10 : memref<!tpu.dma_semaphore, #tpu.memory_space<semaphore_mem>>)
    %dma_start3A_40 = arith.constant 3 : i32
    %dma_start3A_41 = arith.constant 1 : i32
    %dma_start3A_42 = arith.constant 100 : i32
    %dma_start3A_43 = arith.constant 0 : i32
    %dma_start3A_44 = tpu.memref_slice %arg8[%dma_start3A_41, %dma_start3A_42, %dma_start3A_43] : memref<2x200x64xf32, #tpu.memory_space<vmem>> -> memref<1x100x64xf32, #tpu.memory_space<vmem>>
    %dma_start3A_45 = tpu.memref_squeeze %dma_start3A_44 : memref<1x100x64xf32, #tpu.memory_space<vmem>> -> memref<100x64xf32, #tpu.memory_space<vmem>>
    %dma_start3A_46 = arith.constant 0 : i32
    %dma_start3A_47 = tpu.memref_slice %arg6[%dma_start3A_40, %dma_start3A_46] : memref<64x100xi32, #tpu.memory_space<vmem>> -> memref<1x100xi32, #tpu.memory_space<vmem>>
    %dma_start3A_48 = tpu.memref_squeeze %dma_start3A_47 : memref<1x100xi32, #tpu.memory_space<vmem>> -> memref<100xi32, #tpu.memory_space<vmem>>
    %dma_start3A_49 = arith.constant 0 : i32
    %dma_start3A_50 = arith.constant 0 : i32
    %dma_start3A_51 = tpu.memref_slice %arg3[%dma_start3A_49, %dma_start3A_50] : memref<1000000x64xf32, #tpu.memory_space<hbm>> -> memref<1000000x64xf32, #tpu.memory_space<hbm>>
    tpu.enqueue_indirect_dma source(%dma_start3A_51 : memref<1000000x64xf32, #tpu.memory_space<hbm>>) target(%dma_start3A_45 : memref<100x64xf32, #tpu.memory_space<vmem>>) offsets(%dma_start3A_48 : memref<100xi32, #tpu.memory_space<vmem>>) semaphore(%arg10 : memref<!tpu.dma_semaphore, #tpu.memory_space<semaphore_mem>>)
    %scan3A = arith.constant 0 : i32
    %scan3A_52 = arith.constant 0 : i32
    %scan3A_53 = arith.constant 8 : i32
    %scan3A_54 = arith.addi %scan3A_52, %scan3A_53 : i32
    %scan3A_55 = arith.constant 1 : i32
    scf.for %scan3A_57 = %scan3A_52 to %scan3A_54 step %scan3A_55  : i32 {
      %mul3A_58 = arith.constant 2 : i32
      %mul3A_59 = arith.muli %mul3A_58, %scan3A_57 : i32
      %add3A_60 = arith.constant 1 : i32
      %add3A_61 = arith.addi %mul3A_59, %add3A_60 : i32
      %mul3A_62 = arith.constant 4 : i32
      %mul3A_63 = arith.muli %add3A_61, %mul3A_62 : i32
      %add3A_64 = arith.constant 0 : i32
      %add3A_65 = arith.addi %mul3A_63, %add3A_64 : i32
      %dma_start3A_66 = arith.constant 0 : i32
      %dma_start3A_67 = arith.constant 0 : i32
      %dma_start3A_68 = arith.constant 0 : i32
      %dma_start3A_69 = tpu.memref_slice %arg9[%dma_start3A_66, %dma_start3A_67, %dma_start3A_68] : memref<2x200x64xf32, #tpu.memory_space<vmem>> -> memref<1x100x64xf32, #tpu.memory_space<vmem>>
      %dma_start3A_70 = tpu.memref_squeeze %dma_start3A_69 : memref<1x100x64xf32, #tpu.memory_space<vmem>> -> memref<100x64xf32, #tpu.memory_space<vmem>>
      %dma_start3A_71 = arith.constant 0 : i32
      %dma_start3A_72 = tpu.memref_slice %arg6[%add3A_65, %dma_start3A_71] : memref<64x100xi32, #tpu.memory_space<vmem>> -> memref<1x100xi32, #tpu.memory_space<vmem>>
      %dma_start3A_73 = tpu.memref_squeeze %dma_start3A_72 : memref<1x100xi32, #tpu.memory_space<vmem>> -> memref<100xi32, #tpu.memory_space<vmem>>
      %dma_start3A_74 = arith.constant 0 : i32
      %dma_start3A_75 = arith.constant 0 : i32
      %dma_start3A_76 = tpu.memref_slice %arg3[%dma_start3A_74, %dma_start3A_75] : memref<1000000x64xf32, #tpu.memory_space<hbm>> -> memref<1000000x64xf32, #tpu.memory_space<hbm>>
      tpu.enqueue_indirect_dma source(%dma_start3A_76 : memref<1000000x64xf32, #tpu.memory_space<hbm>>) target(%dma_start3A_70 : memref<100x64xf32, #tpu.memory_space<vmem>>) offsets(%dma_start3A_73 : memref<100xi32, #tpu.memory_space<vmem>>) semaphore(%arg11 : memref<!tpu.dma_semaphore, #tpu.memory_space<semaphore_mem>>)
      %mul3A_77 = arith.constant 4 : i32
      %mul3A_78 = arith.muli %add3A_61, %mul3A_77 : i32
      %add3A_79 = arith.constant 1 : i32
      %add3A_80 = arith.addi %mul3A_78, %add3A_79 : i32
      %dma_start3A_81 = arith.constant 0 : i32
      %dma_start3A_82 = arith.constant 100 : i32
      %dma_start3A_83 = arith.constant 0 : i32
      %dma_start3A_84 = tpu.memref_slice %arg9[%dma_start3A_81, %dma_start3A_82, %dma_start3A_83] : memref<2x200x64xf32, #tpu.memory_space<vmem>> -> memref<1x100x64xf32, #tpu.memory_space<vmem>>
      %dma_start3A_85 = tpu.memref_squeeze %dma_start3A_84 : memref<1x100x64xf32, #tpu.memory_space<vmem>> -> memref<100x64xf32, #tpu.memory_space<vmem>>
      %dma_start3A_86 = arith.constant 0 : i32
      %dma_start3A_87 = tpu.memref_slice %arg6[%add3A_80, %dma_start3A_86] : memref<64x100xi32, #tpu.memory_space<vmem>> -> memref<1x100xi32, #tpu.memory_space<vmem>>
      %dma_start3A_88 = tpu.memref_squeeze %dma_start3A_87 : memref<1x100xi32, #tpu.memory_space<vmem>> -> memref<100xi32, #tpu.memory_space<vmem>>
      %dma_start3A_89 = arith.constant 0 : i32
      %dma_start3A_90 = arith.constant 0 : i32
      %dma_start3A_91 = tpu.memref_slice %arg3[%dma_start3A_89, %dma_start3A_90] : memref<1000000x64xf32, #tpu.memory_space<hbm>> -> memref<1000000x64xf32, #tpu.memory_space<hbm>>
      tpu.enqueue_indirect_dma source(%dma_start3A_91 : memref<1000000x64xf32, #tpu.memory_space<hbm>>) target(%dma_start3A_85 : memref<100x64xf32, #tpu.memory_space<vmem>>) offsets(%dma_start3A_88 : memref<100xi32, #tpu.memory_space<vmem>>) semaphore(%arg11 : memref<!tpu.dma_semaphore, #tpu.memory_space<semaphore_mem>>)
      %mul3A_92 = arith.constant 4 : i32
      %mul3A_93 = arith.muli %add3A_61, %mul3A_92 : i32
      %add3A_94 = arith.constant 2 : i32
      %add3A_95 = arith.addi %mul3A_93, %add3A_94 : i32
      %dma_start3A_96 = arith.constant 1 : i32
      %dma_start3A_97 = arith.constant 0 : i32
      %dma_start3A_98 = arith.constant 0 : i32
      %dma_start3A_99 = tpu.memref_slice %arg9[%dma_start3A_96, %dma_start3A_97, %dma_start3A_98] : memref<2x200x64xf32, #tpu.memory_space<vmem>> -> memref<1x100x64xf32, #tpu.memory_space<vmem>>
      %dma_start3A_100 = tpu.memref_squeeze %dma_start3A_99 : memref<1x100x64xf32, #tpu.memory_space<vmem>> -> memref<100x64xf32, #tpu.memory_space<vmem>>
      %dma_start3A_101 = arith.constant 0 : i32
      %dma_start3A_102 = tpu.memref_slice %arg6[%add3A_95, %dma_start3A_101] : memref<64x100xi32, #tpu.memory_space<vmem>> -> memref<1x100xi32, #tpu.memory_space<vmem>>
      %dma_start3A_103 = tpu.memref_squeeze %dma_start3A_102 : memref<1x100xi32, #tpu.memory_space<vmem>> -> memref<100xi32, #tpu.memory_space<vmem>>
      %dma_start3A_104 = arith.constant 0 : i32
      %dma_start3A_105 = arith.constant 0 : i32
      %dma_start3A_106 = tpu.memref_slice %arg3[%dma_start3A_104, %dma_start3A_105] : memref<1000000x64xf32, #tpu.memory_space<hbm>> -> memref<1000000x64xf32, #tpu.memory_space<hbm>>
      tpu.enqueue_indirect_dma source(%dma_start3A_106 : memref<1000000x64xf32, #tpu.memory_space<hbm>>) target(%dma_start3A_100 : memref<100x64xf32, #tpu.memory_space<vmem>>) offsets(%dma_start3A_103 : memref<100xi32, #tpu.memory_space<vmem>>) semaphore(%arg11 : memref<!tpu.dma_semaphore, #tpu.memory_space<semaphore_mem>>)
      %mul3A_107 = arith.constant 4 : i32
      %mul3A_108 = arith.muli %add3A_61, %mul3A_107 : i32
      %add3A_109 = arith.constant 3 : i32
      %add3A_110 = arith.addi %mul3A_108, %add3A_109 : i32
      %dma_start3A_111 = arith.constant 1 : i32
      %dma_start3A_112 = arith.constant 100 : i32
      %dma_start3A_113 = arith.constant 0 : i32
      %dma_start3A_114 = tpu.memref_slice %arg9[%dma_start3A_111, %dma_start3A_112, %dma_start3A_113] : memref<2x200x64xf32, #tpu.memory_space<vmem>> -> memref<1x100x64xf32, #tpu.memory_space<vmem>>
      %dma_start3A_115 = tpu.memref_squeeze %dma_start3A_114 : memref<1x100x64xf32, #tpu.memory_space<vmem>> -> memref<100x64xf32, #tpu.memory_space<vmem>>
      %dma_start3A_116 = arith.constant 0 : i32
      %dma_start3A_117 = tpu.memref_slice %arg6[%add3A_110, %dma_start3A_116] : memref<64x100xi32, #tpu.memory_space<vmem>> -> memref<1x100xi32, #tpu.memory_space<vmem>>
      %dma_start3A_118 = tpu.memref_squeeze %dma_start3A_117 : memref<1x100xi32, #tpu.memory_space<vmem>> -> memref<100xi32, #tpu.memory_space<vmem>>
      %dma_start3A_119 = arith.constant 0 : i32
      %dma_start3A_120 = arith.constant 0 : i32
      %dma_start3A_121 = tpu.memref_slice %arg3[%dma_start3A_119, %dma_start3A_120] : memref<1000000x64xf32, #tpu.memory_space<hbm>> -> memref<1000000x64xf32, #tpu.memory_space<hbm>>
      tpu.enqueue_indirect_dma source(%dma_start3A_121 : memref<1000000x64xf32, #tpu.memory_space<hbm>>) target(%dma_start3A_115 : memref<100x64xf32, #tpu.memory_space<vmem>>) offsets(%dma_start3A_118 : memref<100xi32, #tpu.memory_space<vmem>>) semaphore(%arg11 : memref<!tpu.dma_semaphore, #tpu.memory_space<semaphore_mem>>)
      %dma_wait3A = arith.constant 0 : i32
      %dma_wait3A_122 = arith.constant 0 : i32
      %dma_wait3A_123 = arith.constant 0 : i32
      %dma_wait3A_124 = arith.constant 0 : i32
      %dma_wait3A_125 = tpu.memref_slice %arg8[%dma_wait3A_122, %dma_wait3A_123, %dma_wait3A_124] : memref<2x200x64xf32, #tpu.memory_space<vmem>> -> memref<1x100x64xf32, #tpu.memory_space<vmem>>
      %dma_wait3A_126 = tpu.memref_squeeze %dma_wait3A_125 : memref<1x100x64xf32, #tpu.memory_space<vmem>> -> memref<100x64xf32, #tpu.memory_space<vmem>>
      %dma_wait3A_127 = arith.constant 0 : i32
      %dma_wait3A_128 = tpu.memref_slice %arg6[%dma_wait3A, %dma_wait3A_127] : memref<64x100xi32, #tpu.memory_space<vmem>> -> memref<1x100xi32, #tpu.memory_space<vmem>>
      %dma_wait3A_129 = tpu.memref_squeeze %dma_wait3A_128 : memref<1x100xi32, #tpu.memory_space<vmem>> -> memref<100xi32, #tpu.memory_space<vmem>>
      %dma_wait3A_130 = arith.constant 0 : i32
      %dma_wait3A_131 = arith.constant 0 : i32
      %dma_wait3A_132 = tpu.memref_slice %arg3[%dma_wait3A_130, %dma_wait3A_131] : memref<1000000x64xf32, #tpu.memory_space<hbm>> -> memref<1000000x64xf32, #tpu.memory_space<hbm>>
      tpu.wait_indirect_dma semaphore(%arg10 : memref<!tpu.dma_semaphore, #tpu.memory_space<semaphore_mem>>) src(%dma_wait3A_132 : memref<1000000x64xf32, #tpu.memory_space<hbm>>) dst(%dma_wait3A_126 : memref<100x64xf32, #tpu.memory_space<vmem>>)
      %dma_wait3A_133 = arith.constant 1 : i32
      %dma_wait3A_134 = arith.constant 0 : i32
      %dma_wait3A_135 = arith.constant 100 : i32
      %dma_wait3A_136 = arith.constant 0 : i32
      %dma_wait3A_137 = tpu.memref_slice %arg8[%dma_wait3A_134, %dma_wait3A_135, %dma_wait3A_136] : memref<2x200x64xf32, #tpu.memory_space<vmem>> -> memref<1x100x64xf32, #tpu.memory_space<vmem>>
      %dma_wait3A_138 = tpu.memref_squeeze %dma_wait3A_137 : memref<1x100x64xf32, #tpu.memory_space<vmem>> -> memref<100x64xf32, #tpu.memory_space<vmem>>
      %dma_wait3A_139 = arith.constant 0 : i32
      %dma_wait3A_140 = tpu.memref_slice %arg6[%dma_wait3A_133, %dma_wait3A_139] : memref<64x100xi32, #tpu.memory_space<vmem>> -> memref<1x100xi32, #tpu.memory_space<vmem>>
      %dma_wait3A_141 = tpu.memref_squeeze %dma_wait3A_140 : memref<1x100xi32, #tpu.memory_space<vmem>> -> memref<100xi32, #tpu.memory_space<vmem>>
      %dma_wait3A_142 = arith.constant 0 : i32
      %dma_wait3A_143 = arith.constant 0 : i32
      %dma_wait3A_144 = tpu.memref_slice %arg3[%dma_wait3A_142, %dma_wait3A_143] : memref<1000000x64xf32, #tpu.memory_space<hbm>> -> memref<1000000x64xf32, #tpu.memory_space<hbm>>
      tpu.wait_indirect_dma semaphore(%arg10 : memref<!tpu.dma_semaphore, #tpu.memory_space<semaphore_mem>>) src(%dma_wait3A_144 : memref<1000000x64xf32, #tpu.memory_space<hbm>>) dst(%dma_wait3A_138 : memref<100x64xf32, #tpu.memory_space<vmem>>)
      %dma_wait3A_145 = arith.constant 2 : i32
      %dma_wait3A_146 = arith.constant 1 : i32
      %dma_wait3A_147 = arith.constant 0 : i32
      %dma_wait3A_148 = arith.constant 0 : i32
      %dma_wait3A_149 = tpu.memref_slice %arg8[%dma_wait3A_146, %dma_wait3A_147, %dma_wait3A_148] : memref<2x200x64xf32, #tpu.memory_space<vmem>> -> memref<1x100x64xf32, #tpu.memory_space<vmem>>
      %dma_wait3A_150 = tpu.memref_squeeze %dma_wait3A_149 : memref<1x100x64xf32, #tpu.memory_space<vmem>> -> memref<100x64xf32, #tpu.memory_space<vmem>>
      %dma_wait3A_151 = arith.constant 0 : i32
      %dma_wait3A_152 = tpu.memref_slice %arg6[%dma_wait3A_145, %dma_wait3A_151] : memref<64x100xi32, #tpu.memory_space<vmem>> -> memref<1x100xi32, #tpu.memory_space<vmem>>
      %dma_wait3A_153 = tpu.memref_squeeze %dma_wait3A_152 : memref<1x100xi32, #tpu.memory_space<vmem>> -> memref<100xi32, #tpu.memory_space<vmem>>
      %dma_wait3A_154 = arith.constant 0 : i32
      %dma_wait3A_155 = arith.constant 0 : i32
      %dma_wait3A_156 = tpu.memref_slice %arg3[%dma_wait3A_154, %dma_wait3A_155] : memref<1000000x64xf32, #tpu.memory_space<hbm>> -> memref<1000000x64xf32, #tpu.memory_space<hbm>>
      tpu.wait_indirect_dma semaphore(%arg10 : memref<!tpu.dma_semaphore, #tpu.memory_space<semaphore_mem>>) src(%dma_wait3A_156 : memref<1000000x64xf32, #tpu.memory_space<hbm>>) dst(%dma_wait3A_150 : memref<100x64xf32, #tpu.memory_space<vmem>>)
      %dma_wait3A_157 = arith.constant 3 : i32
      %dma_wait3A_158 = arith.constant 1 : i32
      %dma_wait3A_159 = arith.constant 100 : i32
      %dma_wait3A_160 = arith.constant 0 : i32
      %dma_wait3A_161 = tpu.memref_slice %arg8[%dma_wait3A_158, %dma_wait3A_159, %dma_wait3A_160] : memref<2x200x64xf32, #tpu.memory_space<vmem>> -> memref<1x100x64xf32, #tpu.memory_space<vmem>>
      %dma_wait3A_162 = tpu.memref_squeeze %dma_wait3A_161 : memref<1x100x64xf32, #tpu.memory_space<vmem>> -> memref<100x64xf32, #tpu.memory_space<vmem>>
      %dma_wait3A_163 = arith.constant 0 : i32
      %dma_wait3A_164 = tpu.memref_slice %arg6[%dma_wait3A_157, %dma_wait3A_163] : memref<64x100xi32, #tpu.memory_space<vmem>> -> memref<1x100xi32, #tpu.memory_space<vmem>>
      %dma_wait3A_165 = tpu.memref_squeeze %dma_wait3A_164 : memref<1x100xi32, #tpu.memory_space<vmem>> -> memref<100xi32, #tpu.memory_space<vmem>>
      %dma_wait3A_166 = arith.constant 0 : i32
      %dma_wait3A_167 = arith.constant 0 : i32
      %dma_wait3A_168 = tpu.memref_slice %arg3[%dma_wait3A_166, %dma_wait3A_167] : memref<1000000x64xf32, #tpu.memory_space<hbm>> -> memref<1000000x64xf32, #tpu.memory_space<hbm>>
      tpu.wait_indirect_dma semaphore(%arg10 : memref<!tpu.dma_semaphore, #tpu.memory_space<semaphore_mem>>) src(%dma_wait3A_168 : memref<1000000x64xf32, #tpu.memory_space<hbm>>) dst(%dma_wait3A_162 : memref<100x64xf32, #tpu.memory_space<vmem>>)
      %scan3A_169 = arith.constant 0 : i32
      %scan3A_170 = arith.constant 0 : i32
      %scan3A_171 = arith.constant 200 : i32
      %scan3A_172 = arith.addi %scan3A_170, %scan3A_171 : i32
      %scan3A_173 = arith.constant 1 : i32
      scf.for %scan3A_239 = %scan3A_170 to %scan3A_172 step %scan3A_173  : i32 {
        %get3A = arith.index_cast %scan3A_239 : i32 to index
        %get3A_240 = arith.constant 0 : index
        %get3A_241 = tpu.vector_load %arg7[%get3A, %get3A_240] {strides = array<i32>} : memref<200x64xf32, #tpu.memory_space<vmem>>, vector<1x16xf32>,
        %get3A_242 = vector.shape_cast %get3A_241 : vector<1x16xf32> to vector<16xf32>
        %swap3A = arith.constant 0 : i32
        %swap3A_243 = arith.index_cast %swap3A : i32 to index
        %swap3A_244 = arith.index_cast %scan3A_239 : i32 to index
        %swap3A_245 = arith.constant 0 : index
        %swap3A_246 = tpu.vector_load %arg8[%swap3A_243, %swap3A_244, %swap3A_245] {strides = array<i32>} : memref<2x200x64xf32, #tpu.memory_space<vmem>>, vector<1x1x16xf32>,
        %swap3A_247 = vector.shape_cast %swap3A_246 : vector<1x1x16xf32> to vector<16xf32>
        %swap3A_248 = vector.shape_cast %get3A_242 : vector<16xf32> to vector<1x1x16xf32>
        tpu.vector_store %arg8[%swap3A_243, %swap3A_244, %swap3A_245], %swap3A_248 {add = true, strides = array<i32>} : memref<2x200x64xf32, #tpu.memory_space<vmem>>, vector<1x1x16xf32>,
        %get3A_249 = arith.index_cast %scan3A_239 : i32 to index
        %get3A_250 = arith.constant 16 : index
        %get3A_251 = tpu.vector_load %arg7[%get3A_249, %get3A_250] {strides = array<i32>} : memref<200x64xf32, #tpu.memory_space<vmem>>, vector<1x16xf32>,
        %get3A_252 = vector.shape_cast %get3A_251 : vector<1x16xf32> to vector<16xf32>
        %swap3A_253 = arith.constant 0 : i32
        %swap3A_254 = arith.index_cast %swap3A_253 : i32 to index
        %swap3A_255 = arith.index_cast %scan3A_239 : i32 to index
        %swap3A_256 = arith.constant 16 : index
        %swap3A_257 = tpu.vector_load %arg8[%swap3A_254, %swap3A_255, %swap3A_256] {strides = array<i32>} : memref<2x200x64xf32, #tpu.memory_space<vmem>>, vector<1x1x16xf32>,
        %swap3A_258 = vector.shape_cast %swap3A_257 : vector<1x1x16xf32> to vector<16xf32>
        %swap3A_259 = vector.shape_cast %get3A_252 : vector<16xf32> to vector<1x1x16xf32>
        tpu.vector_store %arg8[%swap3A_254, %swap3A_255, %swap3A_256], %swap3A_259 {add = true, strides = array<i32>} : memref<2x200x64xf32, #tpu.memory_space<vmem>>, vector<1x1x16xf32>,
        %get3A_260 = arith.index_cast %scan3A_239 : i32 to index
        %get3A_261 = arith.constant 32 : index
        %get3A_262 = tpu.vector_load %arg7[%get3A_260, %get3A_261] {strides = array<i32>} : memref<200x64xf32, #tpu.memory_space<vmem>>, vector<1x16xf32>,
        %get3A_263 = vector.shape_cast %get3A_262 : vector<1x16xf32> to vector<16xf32>
        %swap3A_264 = arith.constant 0 : i32
        %swap3A_265 = arith.index_cast %swap3A_264 : i32 to index
        %swap3A_266 = arith.index_cast %scan3A_239 : i32 to index
        %swap3A_267 = arith.constant 32 : index
        %swap3A_268 = tpu.vector_load %arg8[%swap3A_265, %swap3A_266, %swap3A_267] {strides = array<i32>} : memref<2x200x64xf32, #tpu.memory_space<vmem>>, vector<1x1x16xf32>,
        %swap3A_269 = vector.shape_cast %swap3A_268 : vector<1x1x16xf32> to vector<16xf32>
        %swap3A_270 = vector.shape_cast %get3A_263 : vector<16xf32> to vector<1x1x16xf32>
        tpu.vector_store %arg8[%swap3A_265, %swap3A_266, %swap3A_267], %swap3A_270 {add = true, strides = array<i32>} : memref<2x200x64xf32, #tpu.memory_space<vmem>>, vector<1x1x16xf32>,
        %get3A_271 = arith.index_cast %scan3A_239 : i32 to index
        %get3A_272 = arith.constant 48 : index
        %get3A_273 = tpu.vector_load %arg7[%get3A_271, %get3A_272] {strides = array<i32>} : memref<200x64xf32, #tpu.memory_space<vmem>>, vector<1x16xf32>,
        %get3A_274 = vector.shape_cast %get3A_273 : vector<1x16xf32> to vector<16xf32>
        %swap3A_275 = arith.constant 0 : i32
        %swap3A_276 = arith.index_cast %swap3A_275 : i32 to index
        %swap3A_277 = arith.index_cast %scan3A_239 : i32 to index
        %swap3A_278 = arith.constant 48 : index
        %swap3A_279 = tpu.vector_load %arg8[%swap3A_276, %swap3A_277, %swap3A_278] {strides = array<i32>} : memref<2x200x64xf32, #tpu.memory_space<vmem>>, vector<1x1x16xf32>,
        %swap3A_280 = vector.shape_cast %swap3A_279 : vector<1x1x16xf32> to vector<16xf32>
        %swap3A_281 = vector.shape_cast %get3A_274 : vector<16xf32> to vector<1x1x16xf32>
        tpu.vector_store %arg8[%swap3A_276, %swap3A_277, %swap3A_278], %swap3A_281 {add = true, strides = array<i32>} : memref<2x200x64xf32, #tpu.memory_space<vmem>>, vector<1x1x16xf32>,
        %get3A_282 = arith.index_cast %scan3A_239 : i32 to index
        %get3A_283 = arith.constant 0 : index
        %get3A_284 = tpu.vector_load %arg7[%get3A_282, %get3A_283] {strides = array<i32>} : memref<200x64xf32, #tpu.memory_space<vmem>>, vector<1x16xf32>,
        %get3A_285 = vector.shape_cast %get3A_284 : vector<1x16xf32> to vector<16xf32>
        %swap3A_286 = arith.constant 1 : i32
        %swap3A_287 = arith.index_cast %swap3A_286 : i32 to index
        %swap3A_288 = arith.index_cast %scan3A_239 : i32 to index
        %swap3A_289 = arith.constant 0 : index
        %swap3A_290 = tpu.vector_load %arg8[%swap3A_287, %swap3A_288, %swap3A_289] {strides = array<i32>} : memref<2x200x64xf32, #tpu.memory_space<vmem>>, vector<1x1x16xf32>,
        %swap3A_291 = vector.shape_cast %swap3A_290 : vector<1x1x16xf32> to vector<16xf32>
        %swap3A_292 = vector.shape_cast %get3A_285 : vector<16xf32> to vector<1x1x16xf32>
        tpu.vector_store %arg8[%swap3A_287, %swap3A_288, %swap3A_289], %swap3A_292 {add = true, strides = array<i32>} : memref<2x200x64xf32, #tpu.memory_space<vmem>>, vector<1x1x16xf32>,
        %get3A_293 = arith.index_cast %scan3A_239 : i32 to index
        %get3A_294 = arith.constant 16 : index
        %get3A_295 = tpu.vector_load %arg7[%get3A_293, %get3A_294] {strides = array<i32>} : memref<200x64xf32, #tpu.memory_space<vmem>>, vector<1x16xf32>,
        %get3A_296 = vector.shape_cast %get3A_295 : vector<1x16xf32> to vector<16xf32>
        %swap3A_297 = arith.constant 1 : i32
        %swap3A_298 = arith.index_cast %swap3A_297 : i32 to index
        %swap3A_299 = arith.index_cast %scan3A_239 : i32 to index
        %swap3A_300 = arith.constant 16 : index
        %swap3A_301 = tpu.vector_load %arg8[%swap3A_298, %swap3A_299, %swap3A_300] {strides = array<i32>} : memref<2x200x64xf32, #tpu.memory_space<vmem>>, vector<1x1x16xf32>,
        %swap3A_302 = vector.shape_cast %swap3A_301 : vector<1x1x16xf32> to vector<16xf32>
        %swap3A_303 = vector.shape_cast %get3A_296 : vector<16xf32> to vector<1x1x16xf32>
        tpu.vector_store %arg8[%swap3A_298, %swap3A_299, %swap3A_300], %swap3A_303 {add = true, strides = array<i32>} : memref<2x200x64xf32, #tpu.memory_space<vmem>>, vector<1x1x16xf32>,
        %get3A_304 = arith.index_cast %scan3A_239 : i32 to index
        %get3A_305 = arith.constant 32 : index
        %get3A_306 = tpu.vector_load %arg7[%get3A_304, %get3A_305] {strides = array<i32>} : memref<200x64xf32, #tpu.memory_space<vmem>>, vector<1x16xf32>,
        %get3A_307 = vector.shape_cast %get3A_306 : vector<1x16xf32> to vector<16xf32>
        %swap3A_308 = arith.constant 1 : i32
        %swap3A_309 = arith.index_cast %swap3A_308 : i32 to index
        %swap3A_310 = arith.index_cast %scan3A_239 : i32 to index
        %swap3A_311 = arith.constant 32 : index
        %swap3A_312 = tpu.vector_load %arg8[%swap3A_309, %swap3A_310, %swap3A_311] {strides = array<i32>} : memref<2x200x64xf32, #tpu.memory_space<vmem>>, vector<1x1x16xf32>,
        %swap3A_313 = vector.shape_cast %swap3A_312 : vector<1x1x16xf32> to vector<16xf32>
        %swap3A_314 = vector.shape_cast %get3A_307 : vector<16xf32> to vector<1x1x16xf32>
        tpu.vector_store %arg8[%swap3A_309, %swap3A_310, %swap3A_311], %swap3A_314 {add = true, strides = array<i32>} : memref<2x200x64xf32, #tpu.memory_space<vmem>>, vector<1x1x16xf32>,
        %get3A_315 = arith.index_cast %scan3A_239 : i32 to index
        %get3A_316 = arith.constant 48 : index
        %get3A_317 = tpu.vector_load %arg7[%get3A_315, %get3A_316] {strides = array<i32>} : memref<200x64xf32, #tpu.memory_space<vmem>>, vector<1x16xf32>,
        %get3A_318 = vector.shape_cast %get3A_317 : vector<1x16xf32> to vector<16xf32>
        %swap3A_319 = arith.constant 1 : i32
        %swap3A_320 = arith.index_cast %swap3A_319 : i32 to index
        %swap3A_321 = arith.index_cast %scan3A_239 : i32 to index
        %swap3A_322 = arith.constant 48 : index
        %swap3A_323 = tpu.vector_load %arg8[%swap3A_320, %swap3A_321, %swap3A_322] {strides = array<i32>} : memref<2x200x64xf32, #tpu.memory_space<vmem>>, vector<1x1x16xf32>,
        %swap3A_324 = vector.shape_cast %swap3A_323 : vector<1x1x16xf32> to vector<16xf32>
        %swap3A_325 = vector.shape_cast %get3A_318 : vector<16xf32> to vector<1x1x16xf32>
        tpu.vector_store %arg8[%swap3A_320, %swap3A_321, %swap3A_322], %swap3A_325 {add = true, strides = array<i32>} : memref<2x200x64xf32, #tpu.memory_space<vmem>>, vector<1x1x16xf32>,
      }
      %scan3A_174 = arith.constant 200 : i32
      %mul3A_175 = arith.constant 2 : i32
      %mul3A_176 = arith.muli %mul3A_59, %mul3A_175 : i32
      %add3A_177 = arith.addi %mul3A_4, %mul3A_176 : i32
      "tpu.region"() ({
        %run_scoped3A = tpu.sem_alloc : memref<!tpu.dma_semaphore, #tpu.memory_space<semaphore_mem>>
        %dma_start3A_239 = arith.constant 0 : i32
        %dma_start3A_240 = arith.constant 0 : i32
        %dma_start3A_241 = tpu.memref_slice %arg5[%add3A_177, %dma_start3A_239, %dma_start3A_240] : memref<1024x200x64xf32, #tpu.memory_space<hbm>> -> memref<2x200x64xf32, #tpu.memory_space<hbm>>
        %dma_start3A_242 = arith.constant 0 : i32
        %dma_start3A_243 = arith.constant 0 : i32
        %dma_start3A_244 = tpu.memref_slice %arg5[%add3A_177, %dma_start3A_242, %dma_start3A_243] : memref<1024x200x64xf32, #tpu.memory_space<hbm>> -> memref<2x200x64xf32, #tpu.memory_space<hbm>>
        tpu.enqueue_dma source(%arg8 : memref<2x200x64xf32, #tpu.memory_space<vmem>>) target(%dma_start3A_244 : memref<2x200x64xf32, #tpu.memory_space<hbm>>) target_semaphore(%run_scoped3A : memref<!tpu.dma_semaphore, #tpu.memory_space<semaphore_mem>>)
        %dma_wait3A_245 = arith.constant 0 : i32
        %dma_wait3A_246 = arith.constant 0 : i32
        %dma_wait3A_247 = tpu.memref_slice %arg5[%add3A_177, %dma_wait3A_245, %dma_wait3A_246] : memref<1024x200x64xf32, #tpu.memory_space<hbm>> -> memref<2x200x64xf32, #tpu.memory_space<hbm>>
        %dma_wait3A_248 = arith.constant 0 : i32
        %dma_wait3A_249 = arith.constant 0 : i32
        %dma_wait3A_250 = tpu.memref_slice %arg5[%add3A_177, %dma_wait3A_248, %dma_wait3A_249] : memref<1024x200x64xf32, #tpu.memory_space<hbm>> -> memref<2x200x64xf32, #tpu.memory_space<hbm>>
        tpu.wait_dma2 semaphore(%run_scoped3A : memref<!tpu.dma_semaphore, #tpu.memory_space<semaphore_mem>>) src(%arg8 : memref<2x200x64xf32, #tpu.memory_space<vmem>>) dst(%dma_wait3A_250 : memref<2x200x64xf32, #tpu.memory_space<hbm>>)
        tpu.yield
      }) : () -> ()
      %lt3A = arith.constant 7 : i32
      %lt3A_178 = arith.cmpi slt, %scan3A_57, %lt3A : i32
      %convert_element_type3A = arith.extui %lt3A_178 : i1 to i32
      %cond3A = arith.constant 0 : i32
      %cond3A_179 = arith.cmpi ne, %convert_element_type3A, %cond3A : i32
      scf.if %cond3A_179 {
        %add3A_239 = arith.constant 2 : i32
        %add3A_240 = arith.addi %mul3A_59, %add3A_239 : i32
        %mul3A_241 = arith.constant 4 : i32
        %mul3A_242 = arith.muli %add3A_240, %mul3A_241 : i32
        %add3A_243 = arith.constant 0 : i32
        %add3A_244 = arith.addi %mul3A_242, %add3A_243 : i32
        %dma_start3A_245 = arith.constant 0 : i32
        %dma_start3A_246 = arith.constant 0 : i32
        %dma_start3A_247 = arith.constant 0 : i32
        %dma_start3A_248 = tpu.memref_slice %arg8[%dma_start3A_245, %dma_start3A_246, %dma_start3A_247] : memref<2x200x64xf32, #tpu.memory_space<vmem>> -> memref<1x100x64xf32, #tpu.memory_space<vmem>>
        %dma_start3A_249 = tpu.memref_squeeze %dma_start3A_248 : memref<1x100x64xf32, #tpu.memory_space<vmem>> -> memref<100x64xf32, #tpu.memory_space<vmem>>
        %dma_start3A_250 = arith.constant 0 : i32
        %dma_start3A_251 = tpu.memref_slice %arg6[%add3A_244, %dma_start3A_250] : memref<64x100xi32, #tpu.memory_space<vmem>> -> memref<1x100xi32, #tpu.memory_space<vmem>>
        %dma_start3A_252 = tpu.memref_squeeze %dma_start3A_251 : memref<1x100xi32, #tpu.memory_space<vmem>> -> memref<100xi32, #tpu.memory_space<vmem>>
        %dma_start3A_253 = arith.constant 0 : i32
        %dma_start3A_254 = arith.constant 0 : i32
        %dma_start3A_255 = tpu.memref_slice %arg3[%dma_start3A_253, %dma_start3A_254] : memref<1000000x64xf32, #tpu.memory_space<hbm>> -> memref<1000000x64xf32, #tpu.memory_space<hbm>>
        tpu.enqueue_indirect_dma source(%dma_start3A_255 : memref<1000000x64xf32, #tpu.memory_space<hbm>>) target(%dma_start3A_249 : memref<100x64xf32, #tpu.memory_space<vmem>>) offsets(%dma_start3A_252 : memref<100xi32, #tpu.memory_space<vmem>>) semaphore(%arg10 : memref<!tpu.dma_semaphore, #tpu.memory_space<semaphore_mem>>)
        %mul3A_256 = arith.constant 4 : i32
        %mul3A_257 = arith.muli %add3A_240, %mul3A_256 : i32
        %add3A_258 = arith.constant 1 : i32
        %add3A_259 = arith.addi %mul3A_257, %add3A_258 : i32
        %dma_start3A_260 = arith.constant 0 : i32
        %dma_start3A_261 = arith.constant 100 : i32
        %dma_start3A_262 = arith.constant 0 : i32
        %dma_start3A_263 = tpu.memref_slice %arg8[%dma_start3A_260, %dma_start3A_261, %dma_start3A_262] : memref<2x200x64xf32, #tpu.memory_space<vmem>> -> memref<1x100x64xf32, #tpu.memory_space<vmem>>
        %dma_start3A_264 = tpu.memref_squeeze %dma_start3A_263 : memref<1x100x64xf32, #tpu.memory_space<vmem>> -> memref<100x64xf32, #tpu.memory_space<vmem>>
        %dma_start3A_265 = arith.constant 0 : i32
        %dma_start3A_266 = tpu.memref_slice %arg6[%add3A_259, %dma_start3A_265] : memref<64x100xi32, #tpu.memory_space<vmem>> -> memref<1x100xi32, #tpu.memory_space<vmem>>
        %dma_start3A_267 = tpu.memref_squeeze %dma_start3A_266 : memref<1x100xi32, #tpu.memory_space<vmem>> -> memref<100xi32, #tpu.memory_space<vmem>>
        %dma_start3A_268 = arith.constant 0 : i32
        %dma_start3A_269 = arith.constant 0 : i32
        %dma_start3A_270 = tpu.memref_slice %arg3[%dma_start3A_268, %dma_start3A_269] : memref<1000000x64xf32, #tpu.memory_space<hbm>> -> memref<1000000x64xf32, #tpu.memory_space<hbm>>
        tpu.enqueue_indirect_dma source(%dma_start3A_270 : memref<1000000x64xf32, #tpu.memory_space<hbm>>) target(%dma_start3A_264 : memref<100x64xf32, #tpu.memory_space<vmem>>) offsets(%dma_start3A_267 : memref<100xi32, #tpu.memory_space<vmem>>) semaphore(%arg10 : memref<!tpu.dma_semaphore, #tpu.memory_space<semaphore_mem>>)
        %mul3A_271 = arith.constant 4 : i32
        %mul3A_272 = arith.muli %add3A_240, %mul3A_271 : i32
        %add3A_273 = arith.constant 2 : i32
        %add3A_274 = arith.addi %mul3A_272, %add3A_273 : i32
        %dma_start3A_275 = arith.constant 1 : i32
        %dma_start3A_276 = arith.constant 0 : i32
        %dma_start3A_277 = arith.constant 0 : i32
        %dma_start3A_278 = tpu.memref_slice %arg8[%dma_start3A_275, %dma_start3A_276, %dma_start3A_277] : memref<2x200x64xf32, #tpu.memory_space<vmem>> -> memref<1x100x64xf32, #tpu.memory_space<vmem>>
        %dma_start3A_279 = tpu.memref_squeeze %dma_start3A_278 : memref<1x100x64xf32, #tpu.memory_space<vmem>> -> memref<100x64xf32, #tpu.memory_space<vmem>>
        %dma_start3A_280 = arith.constant 0 : i32
        %dma_start3A_281 = tpu.memref_slice %arg6[%add3A_274, %dma_start3A_280] : memref<64x100xi32, #tpu.memory_space<vmem>> -> memref<1x100xi32, #tpu.memory_space<vmem>>
        %dma_start3A_282 = tpu.memref_squeeze %dma_start3A_281 : memref<1x100xi32, #tpu.memory_space<vmem>> -> memref<100xi32, #tpu.memory_space<vmem>>
        %dma_start3A_283 = arith.constant 0 : i32
        %dma_start3A_284 = arith.constant 0 : i32
        %dma_start3A_285 = tpu.memref_slice %arg3[%dma_start3A_283, %dma_start3A_284] : memref<1000000x64xf32, #tpu.memory_space<hbm>> -> memref<1000000x64xf32, #tpu.memory_space<hbm>>
        tpu.enqueue_indirect_dma source(%dma_start3A_285 : memref<1000000x64xf32, #tpu.memory_space<hbm>>) target(%dma_start3A_279 : memref<100x64xf32, #tpu.memory_space<vmem>>) offsets(%dma_start3A_282 : memref<100xi32, #tpu.memory_space<vmem>>) semaphore(%arg10 : memref<!tpu.dma_semaphore, #tpu.memory_space<semaphore_mem>>)
        %mul3A_286 = arith.constant 4 : i32
        %mul3A_287 = arith.muli %add3A_240, %mul3A_286 : i32
        %add3A_288 = arith.constant 3 : i32
        %add3A_289 = arith.addi %mul3A_287, %add3A_288 : i32
        %dma_start3A_290 = arith.constant 1 : i32
        %dma_start3A_291 = arith.constant 100 : i32
        %dma_start3A_292 = arith.constant 0 : i32
        %dma_start3A_293 = tpu.memref_slice %arg8[%dma_start3A_290, %dma_start3A_291, %dma_start3A_292] : memref<2x200x64xf32, #tpu.memory_space<vmem>> -> memref<1x100x64xf32, #tpu.memory_space<vmem>>
        %dma_start3A_294 = tpu.memref_squeeze %dma_start3A_293 : memref<1x100x64xf32, #tpu.memory_space<vmem>> -> memref<100x64xf32, #tpu.memory_space<vmem>>
        %dma_start3A_295 = arith.constant 0 : i32
        %dma_start3A_296 = tpu.memref_slice %arg6[%add3A_289, %dma_start3A_295] : memref<64x100xi32, #tpu.memory_space<vmem>> -> memref<1x100xi32, #tpu.memory_space<vmem>>
        %dma_start3A_297 = tpu.memref_squeeze %dma_start3A_296 : memref<1x100xi32, #tpu.memory_space<vmem>> -> memref<100xi32, #tpu.memory_space<vmem>>
        %dma_start3A_298 = arith.constant 0 : i32
        %dma_start3A_299 = arith.constant 0 : i32
        %dma_start3A_300 = tpu.memref_slice %arg3[%dma_start3A_298, %dma_start3A_299] : memref<1000000x64xf32, #tpu.memory_space<hbm>> -> memref<1000000x64xf32, #tpu.memory_space<hbm>>
        tpu.enqueue_indirect_dma source(%dma_start3A_300 : memref<1000000x64xf32, #tpu.memory_space<hbm>>) target(%dma_start3A_294 : memref<100x64xf32, #tpu.memory_space<vmem>>) offsets(%dma_start3A_297 : memref<100xi32, #tpu.memory_space<vmem>>) semaphore(%arg10 : memref<!tpu.dma_semaphore, #tpu.memory_space<semaphore_mem>>)
      } else {
      }
      %dma_wait3A_180 = arith.constant 0 : i32
      %dma_wait3A_181 = arith.constant 0 : i32
      %dma_wait3A_182 = arith.constant 0 : i32
      %dma_wait3A_183 = arith.constant 0 : i32
      %dma_wait3A_184 = tpu.memref_slice %arg9[%dma_wait3A_181, %dma_wait3A_182, %dma_wait3A_183] : memref<2x200x64xf32, #tpu.memory_space<vmem>> -> memref<1x100x64xf32, #tpu.memory_space<vmem>>
      %dma_wait3A_185 = tpu.memref_squeeze %dma_wait3A_184 : memref<1x100x64xf32, #tpu.memory_space<vmem>> -> memref<100x64xf32, #tpu.memory_space<vmem>>
      %dma_wait3A_186 = arith.constant 0 : i32
      %dma_wait3A_187 = tpu.memref_slice %arg6[%dma_wait3A_180, %dma_wait3A_186] : memref<64x100xi32, #tpu.memory_space<vmem>> -> memref<1x100xi32, #tpu.memory_space<vmem>>
      %dma_wait3A_188 = tpu.memref_squeeze %dma_wait3A_187 : memref<1x100xi32, #tpu.memory_space<vmem>> -> memref<100xi32, #tpu.memory_space<vmem>>
      %dma_wait3A_189 = arith.constant 0 : i32
      %dma_wait3A_190 = arith.constant 0 : i32
      %dma_wait3A_191 = tpu.memref_slice %arg3[%dma_wait3A_189, %dma_wait3A_190] : memref<1000000x64xf32, #tpu.memory_space<hbm>> -> memref<1000000x64xf32, #tpu.memory_space<hbm>>
      tpu.wait_indirect_dma semaphore(%arg11 : memref<!tpu.dma_semaphore, #tpu.memory_space<semaphore_mem>>) src(%dma_wait3A_191 : memref<1000000x64xf32, #tpu.memory_space<hbm>>) dst(%dma_wait3A_185 : memref<100x64xf32, #tpu.memory_space<vmem>>)
      %dma_wait3A_192 = arith.constant 1 : i32
      %dma_wait3A_193 = arith.constant 0 : i32
      %dma_wait3A_194 = arith.constant 100 : i32
      %dma_wait3A_195 = arith.constant 0 : i32
      %dma_wait3A_196 = tpu.memref_slice %arg9[%dma_wait3A_193, %dma_wait3A_194, %dma_wait3A_195] : memref<2x200x64xf32, #tpu.memory_space<vmem>> -> memref<1x100x64xf32, #tpu.memory_space<vmem>>
      %dma_wait3A_197 = tpu.memref_squeeze %dma_wait3A_196 : memref<1x100x64xf32, #tpu.memory_space<vmem>> -> memref<100x64xf32, #tpu.memory_space<vmem>>
      %dma_wait3A_198 = arith.constant 0 : i32
      %dma_wait3A_199 = tpu.memref_slice %arg6[%dma_wait3A_192, %dma_wait3A_198] : memref<64x100xi32, #tpu.memory_space<vmem>> -> memref<1x100xi32, #tpu.memory_space<vmem>>
      %dma_wait3A_200 = tpu.memref_squeeze %dma_wait3A_199 : memref<1x100xi32, #tpu.memory_space<vmem>> -> memref<100xi32, #tpu.memory_space<vmem>>
      %dma_wait3A_201 = arith.constant 0 : i32
      %dma_wait3A_202 = arith.constant 0 : i32
      %dma_wait3A_203 = tpu.memref_slice %arg3[%dma_wait3A_201, %dma_wait3A_202] : memref<1000000x64xf32, #tpu.memory_space<hbm>> -> memref<1000000x64xf32, #tpu.memory_space<hbm>>
      tpu.wait_indirect_dma semaphore(%arg11 : memref<!tpu.dma_semaphore, #tpu.memory_space<semaphore_mem>>) src(%dma_wait3A_203 : memref<1000000x64xf32, #tpu.memory_space<hbm>>) dst(%dma_wait3A_197 : memref<100x64xf32, #tpu.memory_space<vmem>>)
      %dma_wait3A_204 = arith.constant 2 : i32
      %dma_wait3A_205 = arith.constant 1 : i32
      %dma_wait3A_206 = arith.constant 0 : i32
      %dma_wait3A_207 = arith.constant 0 : i32
      %dma_wait3A_208 = tpu.memref_slice %arg9[%dma_wait3A_205, %dma_wait3A_206, %dma_wait3A_207] : memref<2x200x64xf32, #tpu.memory_space<vmem>> -> memref<1x100x64xf32, #tpu.memory_space<vmem>>
      %dma_wait3A_209 = tpu.memref_squeeze %dma_wait3A_208 : memref<1x100x64xf32, #tpu.memory_space<vmem>> -> memref<100x64xf32, #tpu.memory_space<vmem>>
      %dma_wait3A_210 = arith.constant 0 : i32
      %dma_wait3A_211 = tpu.memref_slice %arg6[%dma_wait3A_204, %dma_wait3A_210] : memref<64x100xi32, #tpu.memory_space<vmem>> -> memref<1x100xi32, #tpu.memory_space<vmem>>
      %dma_wait3A_212 = tpu.memref_squeeze %dma_wait3A_211 : memref<1x100xi32, #tpu.memory_space<vmem>> -> memref<100xi32, #tpu.memory_space<vmem>>
      %dma_wait3A_213 = arith.constant 0 : i32
      %dma_wait3A_214 = arith.constant 0 : i32
      %dma_wait3A_215 = tpu.memref_slice %arg3[%dma_wait3A_213, %dma_wait3A_214] : memref<1000000x64xf32, #tpu.memory_space<hbm>> -> memref<1000000x64xf32, #tpu.memory_space<hbm>>
      tpu.wait_indirect_dma semaphore(%arg11 : memref<!tpu.dma_semaphore, #tpu.memory_space<semaphore_mem>>) src(%dma_wait3A_215 : memref<1000000x64xf32, #tpu.memory_space<hbm>>) dst(%dma_wait3A_209 : memref<100x64xf32, #tpu.memory_space<vmem>>)
      %dma_wait3A_216 = arith.constant 3 : i32
      %dma_wait3A_217 = arith.constant 1 : i32
      %dma_wait3A_218 = arith.constant 100 : i32
      %dma_wait3A_219 = arith.constant 0 : i32
      %dma_wait3A_220 = tpu.memref_slice %arg9[%dma_wait3A_217, %dma_wait3A_218, %dma_wait3A_219] : memref<2x200x64xf32, #tpu.memory_space<vmem>> -> memref<1x100x64xf32, #tpu.memory_space<vmem>>
      %dma_wait3A_221 = tpu.memref_squeeze %dma_wait3A_220 : memref<1x100x64xf32, #tpu.memory_space<vmem>> -> memref<100x64xf32, #tpu.memory_space<vmem>>
      %dma_wait3A_222 = arith.constant 0 : i32
      %dma_wait3A_223 = tpu.memref_slice %arg6[%dma_wait3A_216, %dma_wait3A_222] : memref<64x100xi32, #tpu.memory_space<vmem>> -> memref<1x100xi32, #tpu.memory_space<vmem>>
      %dma_wait3A_224 = tpu.memref_squeeze %dma_wait3A_223 : memref<1x100xi32, #tpu.memory_space<vmem>> -> memref<100xi32, #tpu.memory_space<vmem>>
      %dma_wait3A_225 = arith.constant 0 : i32
      %dma_wait3A_226 = arith.constant 0 : i32
      %dma_wait3A_227 = tpu.memref_slice %arg3[%dma_wait3A_225, %dma_wait3A_226] : memref<1000000x64xf32, #tpu.memory_space<hbm>> -> memref<1000000x64xf32, #tpu.memory_space<hbm>>
      tpu.wait_indirect_dma semaphore(%arg11 : memref<!tpu.dma_semaphore, #tpu.memory_space<semaphore_mem>>) src(%dma_wait3A_227 : memref<1000000x64xf32, #tpu.memory_space<hbm>>) dst(%dma_wait3A_221 : memref<100x64xf32, #tpu.memory_space<vmem>>)
      %scan3A_228 = arith.constant 0 : i32
      %scan3A_229 = arith.constant 0 : i32
      %scan3A_230 = arith.constant 200 : i32
      %scan3A_231 = arith.addi %scan3A_229, %scan3A_230 : i32
      %scan3A_232 = arith.constant 1 : i32
      scf.for %scan3A_239 = %scan3A_229 to %scan3A_231 step %scan3A_232  : i32 {
        %get3A = arith.index_cast %scan3A_239 : i32 to index
        %get3A_240 = arith.constant 0 : index
        %get3A_241 = tpu.vector_load %arg7[%get3A, %get3A_240] {strides = array<i32>} : memref<200x64xf32, #tpu.memory_space<vmem>>, vector<1x16xf32>,
        %get3A_242 = vector.shape_cast %get3A_241 : vector<1x16xf32> to vector<16xf32>
        %swap3A = arith.constant 0 : i32
        %swap3A_243 = arith.index_cast %swap3A : i32 to index
        %swap3A_244 = arith.index_cast %scan3A_239 : i32 to index
        %swap3A_245 = arith.constant 0 : index
        %swap3A_246 = tpu.vector_load %arg9[%swap3A_243, %swap3A_244, %swap3A_245] {strides = array<i32>} : memref<2x200x64xf32, #tpu.memory_space<vmem>>, vector<1x1x16xf32>,
        %swap3A_247 = vector.shape_cast %swap3A_246 : vector<1x1x16xf32> to vector<16xf32>
        %swap3A_248 = vector.shape_cast %get3A_242 : vector<16xf32> to vector<1x1x16xf32>
        tpu.vector_store %arg9[%swap3A_243, %swap3A_244, %swap3A_245], %swap3A_248 {add = true, strides = array<i32>} : memref<2x200x64xf32, #tpu.memory_space<vmem>>, vector<1x1x16xf32>,
        %get3A_249 = arith.index_cast %scan3A_239 : i32 to index
        %get3A_250 = arith.constant 16 : index
        %get3A_251 = tpu.vector_load %arg7[%get3A_249, %get3A_250] {strides = array<i32>} : memref<200x64xf32, #tpu.memory_space<vmem>>, vector<1x16xf32>,
        %get3A_252 = vector.shape_cast %get3A_251 : vector<1x16xf32> to vector<16xf32>
        %swap3A_253 = arith.constant 0 : i32
        %swap3A_254 = arith.index_cast %swap3A_253 : i32 to index
        %swap3A_255 = arith.index_cast %scan3A_239 : i32 to index
        %swap3A_256 = arith.constant 16 : index
        %swap3A_257 = tpu.vector_load %arg9[%swap3A_254, %swap3A_255, %swap3A_256] {strides = array<i32>} : memref<2x200x64xf32, #tpu.memory_space<vmem>>, vector<1x1x16xf32>,
        %swap3A_258 = vector.shape_cast %swap3A_257 : vector<1x1x16xf32> to vector<16xf32>
        %swap3A_259 = vector.shape_cast %get3A_252 : vector<16xf32> to vector<1x1x16xf32>
        tpu.vector_store %arg9[%swap3A_254, %swap3A_255, %swap3A_256], %swap3A_259 {add = true, strides = array<i32>} : memref<2x200x64xf32, #tpu.memory_space<vmem>>, vector<1x1x16xf32>,
        %get3A_260 = arith.index_cast %scan3A_239 : i32 to index
        %get3A_261 = arith.constant 32 : index
        %get3A_262 = tpu.vector_load %arg7[%get3A_260, %get3A_261] {strides = array<i32>} : memref<200x64xf32, #tpu.memory_space<vmem>>, vector<1x16xf32>,
        %get3A_263 = vector.shape_cast %get3A_262 : vector<1x16xf32> to vector<16xf32>
        %swap3A_264 = arith.constant 0 : i32
        %swap3A_265 = arith.index_cast %swap3A_264 : i32 to index
        %swap3A_266 = arith.index_cast %scan3A_239 : i32 to index
        %swap3A_267 = arith.constant 32 : index
        %swap3A_268 = tpu.vector_load %arg9[%swap3A_265, %swap3A_266, %swap3A_267] {strides = array<i32>} : memref<2x200x64xf32, #tpu.memory_space<vmem>>, vector<1x1x16xf32>,
        %swap3A_269 = vector.shape_cast %swap3A_268 : vector<1x1x16xf32> to vector<16xf32>
        %swap3A_270 = vector.shape_cast %get3A_263 : vector<16xf32> to vector<1x1x16xf32>
        tpu.vector_store %arg9[%swap3A_265, %swap3A_266, %swap3A_267], %swap3A_270 {add = true, strides = array<i32>} : memref<2x200x64xf32, #tpu.memory_space<vmem>>, vector<1x1x16xf32>,
        %get3A_271 = arith.index_cast %scan3A_239 : i32 to index
        %get3A_272 = arith.constant 48 : index
        %get3A_273 = tpu.vector_load %arg7[%get3A_271, %get3A_272] {strides = array<i32>} : memref<200x64xf32, #tpu.memory_space<vmem>>, vector<1x16xf32>,
        %get3A_274 = vector.shape_cast %get3A_273 : vector<1x16xf32> to vector<16xf32>
        %swap3A_275 = arith.constant 0 : i32
        %swap3A_276 = arith.index_cast %swap3A_275 : i32 to index
        %swap3A_277 = arith.index_cast %scan3A_239 : i32 to index
        %swap3A_278 = arith.constant 48 : index
        %swap3A_279 = tpu.vector_load %arg9[%swap3A_276, %swap3A_277, %swap3A_278] {strides = array<i32>} : memref<2x200x64xf32, #tpu.memory_space<vmem>>, vector<1x1x16xf32>,
        %swap3A_280 = vector.shape_cast %swap3A_279 : vector<1x1x16xf32> to vector<16xf32>
        %swap3A_281 = vector.shape_cast %get3A_274 : vector<16xf32> to vector<1x1x16xf32>
        tpu.vector_store %arg9[%swap3A_276, %swap3A_277, %swap3A_278], %swap3A_281 {add = true, strides = array<i32>} : memref<2x200x64xf32, #tpu.memory_space<vmem>>, vector<1x1x16xf32>,
        %get3A_282 = arith.index_cast %scan3A_239 : i32 to index
        %get3A_283 = arith.constant 0 : index
        %get3A_284 = tpu.vector_load %arg7[%get3A_282, %get3A_283] {strides = array<i32>} : memref<200x64xf32, #tpu.memory_space<vmem>>, vector<1x16xf32>,
        %get3A_285 = vector.shape_cast %get3A_284 : vector<1x16xf32> to vector<16xf32>
        %swap3A_286 = arith.constant 1 : i32
        %swap3A_287 = arith.index_cast %swap3A_286 : i32 to index
        %swap3A_288 = arith.index_cast %scan3A_239 : i32 to index
        %swap3A_289 = arith.constant 0 : index
        %swap3A_290 = tpu.vector_load %arg9[%swap3A_287, %swap3A_288, %swap3A_289] {strides = array<i32>} : memref<2x200x64xf32, #tpu.memory_space<vmem>>, vector<1x1x16xf32>,
        %swap3A_291 = vector.shape_cast %swap3A_290 : vector<1x1x16xf32> to vector<16xf32>
        %swap3A_292 = vector.shape_cast %get3A_285 : vector<16xf32> to vector<1x1x16xf32>
        tpu.vector_store %arg9[%swap3A_287, %swap3A_288, %swap3A_289], %swap3A_292 {add = true, strides = array<i32>} : memref<2x200x64xf32, #tpu.memory_space<vmem>>, vector<1x1x16xf32>,
        %get3A_293 = arith.index_cast %scan3A_239 : i32 to index
        %get3A_294 = arith.constant 16 : index
        %get3A_295 = tpu.vector_load %arg7[%get3A_293, %get3A_294] {strides = array<i32>} : memref<200x64xf32, #tpu.memory_space<vmem>>, vector<1x16xf32>,
        %get3A_296 = vector.shape_cast %get3A_295 : vector<1x16xf32> to vector<16xf32>
        %swap3A_297 = arith.constant 1 : i32
        %swap3A_298 = arith.index_cast %swap3A_297 : i32 to index
        %swap3A_299 = arith.index_cast %scan3A_239 : i32 to index
        %swap3A_300 = arith.constant 16 : index
        %swap3A_301 = tpu.vector_load %arg9[%swap3A_298, %swap3A_299, %swap3A_300] {strides = array<i32>} : memref<2x200x64xf32, #tpu.memory_space<vmem>>, vector<1x1x16xf32>,
        %swap3A_302 = vector.shape_cast %swap3A_301 : vector<1x1x16xf32> to vector<16xf32>
        %swap3A_303 = vector.shape_cast %get3A_296 : vector<16xf32> to vector<1x1x16xf32>
        tpu.vector_store %arg9[%swap3A_298, %swap3A_299, %swap3A_300], %swap3A_303 {add = true, strides = array<i32>} : memref<2x200x64xf32, #tpu.memory_space<vmem>>, vector<1x1x16xf32>,
        %get3A_304 = arith.index_cast %scan3A_239 : i32 to index
        %get3A_305 = arith.constant 32 : index
        %get3A_306 = tpu.vector_load %arg7[%get3A_304, %get3A_305] {strides = array<i32>} : memref<200x64xf32, #tpu.memory_space<vmem>>, vector<1x16xf32>,
        %get3A_307 = vector.shape_cast %get3A_306 : vector<1x16xf32> to vector<16xf32>
        %swap3A_308 = arith.constant 1 : i32
        %swap3A_309 = arith.index_cast %swap3A_308 : i32 to index
        %swap3A_310 = arith.index_cast %scan3A_239 : i32 to index
        %swap3A_311 = arith.constant 32 : index
        %swap3A_312 = tpu.vector_load %arg9[%swap3A_309, %swap3A_310, %swap3A_311] {strides = array<i32>} : memref<2x200x64xf32, #tpu.memory_space<vmem>>, vector<1x1x16xf32>,
        %swap3A_313 = vector.shape_cast %swap3A_312 : vector<1x1x16xf32> to vector<16xf32>
        %swap3A_314 = vector.shape_cast %get3A_307 : vector<16xf32> to vector<1x1x16xf32>
        tpu.vector_store %arg9[%swap3A_309, %swap3A_310, %swap3A_311], %swap3A_314 {add = true, strides = array<i32>} : memref<2x200x64xf32, #tpu.memory_space<vmem>>, vector<1x1x16xf32>,
        %get3A_315 = arith.index_cast %scan3A_239 : i32 to index
        %get3A_316 = arith.constant 48 : index
        %get3A_317 = tpu.vector_load %arg7[%get3A_315, %get3A_316] {strides = array<i32>} : memref<200x64xf32, #tpu.memory_space<vmem>>, vector<1x16xf32>,
        %get3A_318 = vector.shape_cast %get3A_317 : vector<1x16xf32> to vector<16xf32>
        %swap3A_319 = arith.constant 1 : i32
        %swap3A_320 = arith.index_cast %swap3A_319 : i32 to index
        %swap3A_321 = arith.index_cast %scan3A_239 : i32 to index
        %swap3A_322 = arith.constant 48 : index
        %swap3A_323 = tpu.vector_load %arg9[%swap3A_320, %swap3A_321, %swap3A_322] {strides = array<i32>} : memref<2x200x64xf32, #tpu.memory_space<vmem>>, vector<1x1x16xf32>,
        %swap3A_324 = vector.shape_cast %swap3A_323 : vector<1x1x16xf32> to vector<16xf32>
        %swap3A_325 = vector.shape_cast %get3A_318 : vector<16xf32> to vector<1x1x16xf32>
        tpu.vector_store %arg9[%swap3A_320, %swap3A_321, %swap3A_322], %swap3A_325 {add = true, strides = array<i32>} : memref<2x200x64xf32, #tpu.memory_space<vmem>>, vector<1x1x16xf32>,
      }
      %scan3A_233 = arith.constant 200 : i32
      %add3A_234 = arith.constant 1 : i32
      %add3A_235 = arith.addi %mul3A_59, %add3A_234 : i32
      %mul3A_236 = arith.constant 2 : i32
      %mul3A_237 = arith.muli %add3A_235, %mul3A_236 : i32
      %add3A_238 = arith.addi %mul3A_4, %mul3A_237 : i32
      "tpu.region"() ({
        %run_scoped3A = tpu.sem_alloc : memref<!tpu.dma_semaphore, #tpu.memory_space<semaphore_mem>>
        %dma_start3A_239 = arith.constant 0 : i32
        %dma_start3A_240 = arith.constant 0 : i32
        %dma_start3A_241 = tpu.memref_slice %arg5[%add3A_238, %dma_start3A_239, %dma_start3A_240] : memref<1024x200x64xf32, #tpu.memory_space<hbm>> -> memref<2x200x64xf32, #tpu.memory_space<hbm>>
        %dma_start3A_242 = arith.constant 0 : i32
        %dma_start3A_243 = arith.constant 0 : i32
        %dma_start3A_244 = tpu.memref_slice %arg5[%add3A_238, %dma_start3A_242, %dma_start3A_243] : memref<1024x200x64xf32, #tpu.memory_space<hbm>> -> memref<2x200x64xf32, #tpu.memory_space<hbm>>
        tpu.enqueue_dma source(%arg9 : memref<2x200x64xf32, #tpu.memory_space<vmem>>) target(%dma_start3A_244 : memref<2x200x64xf32, #tpu.memory_space<hbm>>) target_semaphore(%run_scoped3A : memref<!tpu.dma_semaphore, #tpu.memory_space<semaphore_mem>>)
        %dma_wait3A_245 = arith.constant 0 : i32
        %dma_wait3A_246 = arith.constant 0 : i32
        %dma_wait3A_247 = tpu.memref_slice %arg5[%add3A_238, %dma_wait3A_245, %dma_wait3A_246] : memref<1024x200x64xf32, #tpu.memory_space<hbm>> -> memref<2x200x64xf32, #tpu.memory_space<hbm>>
        %dma_wait3A_248 = arith.constant 0 : i32
        %dma_wait3A_249 = arith.constant 0 : i32
        %dma_wait3A_250 = tpu.memref_slice %arg5[%add3A_238, %dma_wait3A_248, %dma_wait3A_249] : memref<1024x200x64xf32, #tpu.memory_space<hbm>> -> memref<2x200x64xf32, #tpu.memory_space<hbm>>
        tpu.wait_dma2 semaphore(%run_scoped3A : memref<!tpu.dma_semaphore, #tpu.memory_space<semaphore_mem>>) src(%arg9 : memref<2x200x64xf32, #tpu.memory_space<vmem>>) dst(%dma_wait3A_250 : memref<2x200x64xf32, #tpu.memory_space<hbm>>)
        tpu.yield
      }) : () -> ()
    }
    %scan3A_56 = arith.constant 8 : i32
    return
  }
}

</mosaic_0001>

<sc_bundles>
// kernel: kernel.3.cloned.1.call-start
scs
__scs_entry_jumppad:
0x0: {  	(pc) =	sbr.rel $0x88, $3  }
0x1: {  	(tag) =	ssettag $0x0;
	lr =	simm.s32 $0x1  }
0x2: {  	[smem:$0x3F9E] =	sst lr;
	_ =	strace $0xD0000000  }
0x3: {  	_ = 	snop  }
0x4: {  	_ = 	snop  }
0x5: {  	_ = 	snop  }
0x6: {  	_ = 	snop  }
0x7: {  	_ = 	snop  }
__scs_overlays_trampoline_lowered:
0x8: {  	[smem:$0x3FAD] =	sst s0  }
0x9: {  	[smem:$0x3FAE] =	sst s1  }
0xa: {  	[smem:$0x3FAF] =	sst s2  }
0xb: {  	[smem:$0x3FB0] =	sst s3  }
0xc: {  	[smem:$0x3FB1] =	sst s4  }
0xd: {  	[smem:$0x3FB2] =	sst s5  }
0xe: {  	[smem:$0x3FB3] =	sst s6  }
0xf: {  	[smem:$0x3FB4] =	sst s7  }
0x10: {  	[smem:$0x3FB5] =	sst s8  }
0x11: {  	[smem:$0x3FB6] =	sst s9;
	s0 =	simm.s32 @!p0 $0x0  }
0x12: {  	s1 =	sld [smem:$0x3F9C];
	s0 =	simm.s32 @p0 $0x1  }
0x13: {  	[smem:$0x3FB7] =	sst s0;
	s0 =	simm.s32 @!p1 $0x0  }
0x14: {  	s2 =	sld [smem:$0x3F9B];
	s0 =	simm.s32 @p1 $0x1  }
0x15: {  	[smem:$0x3FB8] =	sst s0;
	s0 =	simm.s32 @!p2 $0x0  }
0x16: {  	s3 =	sld [smem:$0x3FDB];
	s0 =	simm.s32 @p2 $0x1  }
0x17: {  	s4 =	simm.s32 $0x1BF5;
	[smem:$0x3FBA] =	sst s0  }
0x18: {  	s0 =	sld [smem:$0x3F9D];
	_ =	swait.ge [sflag:s4], $0x0  }
0x19: {  	s7 =	sld [smem:$0x3F9E]  }
0x1a: {  	s8 =	sadd.s32 $0xFFFFE003, lr  }
0x1b: {  	s9 =	sadd.s32 $0xFFFFFEF7, lr;
	s5 =	simm.s32 $0xFFFFFFFF;
	p2 =	slt.u32 s8, $0xFFFFF086  }
0x1c: {  	p1 =	slt.u32 s9, $0xF7A;
	s5 =	simm.s32 @!p2 $0x0  }
0x1d: {  	s5 =	simm.s32 @p1 $0x1;
	p0 =	seq.s32 s7, s2  }
0x1e: {  	s7 =	smul.u32 @!p0 $0xF7A, s2;
	p2 =	seq.s32 @!p0 s5, $0x0  }
0x1f: {  	s9 =	smul.u32 $0xF7A, s1;
	s8 =	simm.s32 @!p0 $0x1BF5;
	p2 =	por !p2, p0  }
0x20: {  	[sflag:s8] =	ssyncset.s32 @!p0 $0xFFFFF086;
	s6 =	sadd.s32 @!p0 s3, s7;
	s7 =	simm.s32 @!p0 $0x108  }
0x21: {  	s3 =	sadd.s32 s3, s9;
	s6 =	sadd.s32 @!p0 $0x88, s6;
	s7 =	simm.s32 @p2 $0x1082  }
0x22: {  	[simem:s7], [sflag:s8] =	dma.local @!p0 [hbm:s6], $0xF7A  }
0x23: {  	s9 =	sor.u32 $0xD0000000, s2;
	s6 =	simm.s32 $0x108;
	_ =	swait.ge @!p0 [sflag:s8], $0x0  }
0x24: {  	s3 =	sadd.s32 $0x88, s3;
	s6 =	simm.s32 @!p1 $0x1082;
	[sflag:s4] =	ssyncset.s32 $0xFFFFF086  }
0x25: {  	[simem:s6], [sflag:s4] =	dma.local [hbm:s3], $0xF7A  }
0x26: {  	[smem:$0x3F9E] =	sst s1;
	(tag) =	ssettag s2;
	_ =	strace s9  }
0x27: {  	s1 =	sld [smem:$0x3FAE]  }
0x28: {  	s2 =	sld [smem:$0x3FAF]  }
0x29: {  	s4 =	sld [smem:$0x3FB1]  }
0x2a: {  	p0 =	seq.s32 s5, $0x0;
	s5 =	sld [smem:$0x3FB2]  }
0x2b: {  	s6 =	sld [smem:$0x3FB3]  }
0x2c: {  	s7 =	sld [smem:$0x3FB4]  }
0x2d: {  	s3 =	simm.s32 $0x108;
	s8 =	sld [smem:$0x3FB5]  }
0x2e: {  	s3 =	simm.s32 @!p0 $0x1082;
	s9 =	sld [smem:$0x3FB6]  }
0x2f: {  	lr =	sadd.s32 s0, s3;
	s0 =	sld [smem:$0x3FAD]  }
0x30: {  	s3 =	sld [smem:$0x3FB0]  }
0x31: {  	[smem:$0x3FB9] =	sst s10  }
0x32: {  	s10 =	sld [smem:$0x3FB7];
	_ =	sdelay $0x3  }
0x33: {  	p0 =	seq.s32 s10, $0x1;
	s10 =	sld [smem:$0x3FB9];
	_ =	sdelay $0x3  }
0x34: {  	[smem:$0x3FB9] =	sst s10  }
0x35: {  	s10 =	sld [smem:$0x3FB8];
	_ =	sdelay $0x3  }
0x36: {  	p1 =	seq.s32 s10, $0x1;
	s10 =	sld [smem:$0x3FB9];
	_ =	sdelay $0x3  }
0x37: {  	[smem:$0x3FB9] =	sst s10  }
0x38: {  	s10 =	sld [smem:$0x3FBA]  }
0x39: {  	_ = 	snop;
	(pc) =	sbr.ind lr, $3  }
0x3a: {  	_ = 	snop  }
0x3b: {  	_ = 	snop  }
0x3c: {  	p2 =	seq.s32 s10, $0x1;
	s10 =	sld [smem:$0x3FB9]  }
0x3d: {  	_ =	shalt  }
0x3e: {  	_ =	shalt  }
0x3f: {  	_ =	shalt  }
0x40: {  	_ =	shalt  }
0x41: {  	_ =	shalt  }
0x42: {  	_ =	shalt  }
0x43: {  	_ =	shalt  }
0x44: {  	_ =	shalt  }
0x45: {  	_ =	shalt  }
0x46: {  	_ =	shalt  }
0x47: {  	_ =	shalt  }
0x48: {  	_ =	shalt  }
0x49: {  	_ =	shalt  }
0x4a: {  	_ =	shalt  }
0x4b: {  	_ =	shalt  }
0x4c: {  	_ =	shalt  }
0x4d: {  	_ =	shalt  }
0x4e: {  	_ =	shalt  }
0x4f: {  	_ =	shalt  }
0x50: {  	_ =	shalt  }
0x51: {  	_ =	shalt  }
0x52: {  	_ =	shalt  }
0x53: {  	_ =	shalt  }
0x54: {  	_ =	shalt  }
0x55: {  	_ =	shalt  }
0x56: {  	_ =	shalt  }
0x57: {  	_ =	shalt  }
0x58: {  	_ =	shalt  }
0x59: {  	_ =	shalt  }
0x5a: {  	_ =	shalt  }
0x5b: {  	_ =	shalt  }
0x5c: {  	_ =	shalt  }
0x5d: {  	_ =	shalt  }
0x5e: {  	_ =	shalt  }
0x5f: {  	_ =	shalt  }
0x60: {  	_ =	shalt  }
0x61: {  	_ =	shalt  }
0x62: {  	_ =	shalt  }
0x63: {  	_ =	shalt  }
0x64: {  	_ =	shalt  }
0x65: {  	_ =	shalt  }
0x66: {  	_ =	shalt  }
0x67: {  	_ =	shalt  }
0x68: {  	_ =	shalt  }
0x69: {  	_ =	shalt  }
0x6a: {  	_ =	shalt  }
0x6b: {  	_ =	shalt  }
0x6c: {  	_ =	shalt  }
0x6d: {  	_ =	shalt  }
0x6e: {  	_ =	shalt  }
0x6f: {  	_ =	shalt  }
0x70: {  	_ =	shalt  }
0x71: {  	_ =	shalt  }
0x72: {  	_ =	shalt  }
0x73: {  	_ =	shalt  }
0x74: {  	_ =	shalt  }
0x75: {  	_ =	shalt  }
0x76: {  	_ =	shalt  }
0x77: {  	_ =	shalt  }
0x78: {  	_ =	shalt  }
0x79: {  	_ =	shalt  }
0x7a: {  	_ =	shalt  }
0x7b: {  	_ =	shalt  }
0x7c: {  	_ =	shalt  }
0x7d: {  	_ =	shalt  }
0x7e: {  	_ =	shalt  }
0x7f: {  	_ =	shalt  }
0x80: {  	_ =	shalt  }
0x81: {  	_ =	shalt  }
0x82: {  	_ =	shalt  }
0x83: {  	_ =	shalt  }
0x84: {  	_ =	shalt  }
0x85: {  	_ =	shalt  }
0x86: {  	_ =	shalt  }
0x87: {  	_ =	shalt  }
.Lfunc_end0:
.L_simem_size_0:
called_computation.1_lowered:
.L_overlay_start_0:
0x88: {  	s2 =	sld [smem:$0x3FD9]  }
0x89: {  	s3 =	sld [smem:$0x3FFE];
	_ =	sdelay $0x1  }
0x8a: {  	s1 =	srdreg.scid  }
0x8b: {  	s0 =	sand.u32 $0x1, s1  }
0x8c: {  	s17 =	sshll.u32 s0, $0xA;
	s2 =	sadd.s32 s3, s2  }
0x8d: {  	s2 =	sadd.s32 s2, s17  }
0x8e: {  	[smem:$0x3FC5] =	sst s2  }
0x8f: {  	_ = 	snop  }
0x90: {  	s2 =	sld [smem:$0x3FD0];
	(tm) =	ssettm $0x1  }
0x91: {  	s18 =	sld [smem:$0x3FFB];
	_ =	sdelay $0x3  }
0x92: {  	_ =	strace s18  }
0x93: {  	s3 =	sld [smem:$0x3FFC];
	_ =	sdelay $0x3  }
0x94: {  	_ =	strace s3  }
0x95: {  	s3 =	sld [smem:$0x3FFD];
	_ =	sdelay $0x3  }
0x96: {  	_ =	strace s3  }
0x97: {  	_ =	strace $0x8FFFFFFF  }
0x98: {  	s19 =	sld [smem:$0x3FDB];
	_ =	sdelay $0x1  }
0x99: {  	s4 =	simm.s32 $_scs_section_size  }
0x9a: {  	s5 =	simm.s32 $_size__tile_overlayer_lowered;
	s6 =	simm.s32 $_tile_overlayer_lowered  }
0x9b: {  	s22 =	simm.s32 $0x1BFF;
	s21 =	sshll.u32 s6, $0x1;
	s3 =	sadd.s32 s4, s19  }
0x9c: {  	s7 =	simm.s32 $0x0;
	s20 =	sshll.u32 s5, $0x1;
	s5 =	sadd.s32 s21, s3  }
0x9d: {  	[timem:s7], [sflag:s22] =	dma.local [hbm:s5], s20  }
0x9e: {  	_ =	swait.ge [sflag:s22], s20  }
0x9f: {  	s4 =	ssub.s32 $0x0, s20;
	[sflag:s22] =	ssyncset.done $0x0  }
0xa0: {  	[sflag:s22] =	ssyncadd.s32 s4;
	_ =	sdelay $0x1  }
0xa1: {  	s23 =	simm.s32 $0x1B8B  }
0xa2: {  	_ =	swait.ge [sflag:s23], $0x1  }
0xa3: {  	[sflag:s23] =	ssyncset.done $0x0  }
0xa4: {  	s25 =	simm.s32 $0x1B8E;
	s24 =	sld [smem:$0x3FFE];
	[sflag:s23] =	ssyncadd.s32 $0xFFFFFFFF  }
0xa5: {  	s26 =	simm.s32 $execute0_lowered;
	[smem:$0x3FD2] =	sst s25  }
0xa6: {  	s5 =	sshll.u32 s26, $0x1;
	_ =	strace $0x80000046;
	[dreg:$0x1] =	wrdreg $0xFFFFFFFF  }
0xa7: {  	s28 =	simm.s32 $_size_execute0_lowered;
	s3 =	sadd.s32 s3, s5;
	[dreg:$0x0] =	wrdreg $0x0  }
0xa8: {  	s5 =	sshll.u32 s28, $0x1;
	[dreg:$0x2] =	wrdreg s3  }
0xa9: {  	[dreg:$0x3] =	wrdreg s5  }
0xaa: {  	[dreg:$0x4] =	wrdreg $0xC0  }
0xab: {  	_ =	task [dreg:s7], $0x5FFFF  }
0xac: {  	[dreg:$0x1] =	wrdreg $0xFFFFFFFF  }
0xad: {  	[dreg:$0x0] =	wrdreg $0x60  }
0xae: {  	[dreg:$0x2] =	wrdreg s24  }
0xaf: {  	[dreg:$0x3] =	wrdreg s2  }
0xb0: {  	[dreg:$0x4] =	wrdreg $0x9  }
0xb1: {  	_ =	task.clear_ibuf [dreg:s7], $0x5FFFF;
	_ =	strace $0x90000046  }
0xb2: {  	s29 =	simm.s32 $0x9;
	_ =	strace $0x80000048  }
0xb3: {  	_ =	swait.ge [sflag:s29], $0x1  }
0xb4: {  	[sflag:s29] =	ssyncadd.s32 $0xFFFFFFFF  }
0xb5: {  	_ =	strace $0x90000048  }
0xb6: {  	_ =	sfence  }
0xb7: {  	s30 =	sld [smem:$0x0];
	_ =	sdelay $0x2  }
0xb8: {  	s31 =	sshll.u32 s1, $0xD;
	s1 =	sshrl.u32 s1, $0x2  }
0xb9: {  	s3 =	sand.u32 $0x4000, s31;
	s1 =	sadd.s32 s1, s30  }
0xba: {  	s0 =	sor.u32 s3, s0;
	s1 =	sshll.u32 s1, $0x11  }
0xbb: {  	s0 =	sor.u32 s1, s0  }
0xbc: {  	s0 =	sadd.s32 $0x8F2B, s0  }
0xbd: {  	[sflag:s0] =	ssyncadd.remote.s32 $0x1  }
0xbe: {  	_ =	sfence.sel $0xFFFF  }
0xbf: {  	[dreg:$0x0] =	wrdreg $0xFFFFFFFF;
	(pc) =	sbr.abs _section_cstart, $3  }
0xc0: {  	[dreg:$0x1] =	wrdreg $0xFFFFFFFF  }
0xc1: {  	_ =	task.clear_ibuf [dreg:s7], $0x2FFFF;
	_ =	strace $0x9FFFFFFF  }
0xc2: {  	(tm) =	ssettm $0x7FFFFFFF  }
0xc3: {  	_ =	shalt  }
tec
execute0_lowered:
.L_overlay_start_1:
0x0: {  	(tag) =	ssettag $0x1  }
0x1: {  	s1 =	srdreg.scid;
	s5 =	rddreg [dreg:$0x0]  }
0x2: {  	s0 =	stileid.u32;
	s2 =	rddreg [dreg:$0x1]  }
0x3: {  	s3 =	simm.s32 $0x0;
	s10 =	simm.s32 $0x1A00;
	s11 =	simm.s32 $0x64  }
0x4: {  	s12 =	simm.s32 $0x4C00;
	s13 =	simm.s32 $0x68;
	s14 =	simm.s32 $0x6500  }
0x5: {  	s15 =	simm.s32 $0xD0;
	s16 =	simm.s32 $0x7E00;
	s17 =	simm.s32 $0x138  }
0x6: {  	s18 =	simm.s32 $0x9700;
	s19 =	simm.s32 $0xB000;
	s20 =	simm.s32 $0xC900  }
0x7: {  	s21 =	simm.s32 $0xE200;
	s22 =	simm.s32 $0xFB00;
	s23 =	simm.s32 $0x1  }
0x8: {  	s24 =	simm.s32 $0x2;
	s4 =	sand.u32 $0x1, s1;
	s31 =	sshll.u32 s0, $0x1  }
0x9: {  	s25 =	simm.s32 $0x0;
	[smem:$0x7FF] =	sst s3;
	s6 =	sor.u32 s4, s31  }
0xa: {  	_ =	strace $0x80000047;
	s8 =	ssub.s32 $0x2, s4;
	s7 =	smul.u32 $0x340, s6  }
0xb: {  	s4 =	sadd.s32 $0xF43000, s5;
	s9 =	sshrl.u32 s8, $0x1;
	s6 =	sshll.u32 s6, $0x5  }
0xc: {  	s8 =	ssub.s32 s8, s9;
	s9 =	simm.s32 $0x3;
	s7 =	sadd.s32 s7, s5  }
0xd: {  	s5 =	sadd.s32 $0x7400, s5;
	s8 =	smax.u32 s8, $0x1;
	s7 =	sadd.s32 $0xC00, s7  }
.LBB2_1:
0xe: {  	[tilespmem:s3], [sflag:$0x3] =	stream.linear.gather [hbm4b:s7+s3], $0x1A00, $0x38;
	[tilespmem:$0x11400] =	vst v63  }
0xf: {  	_ =	swait.ge [sflag:s9], $0x1A00  }
0x10: {  	[sflag:s9] =	ssyncset.done $0x0  }
0x11: {  	[sflag:s9] =	ssyncadd.s32 $0xFFFFE600  }
0x12: {  	[tilespmem:s10], [sflag:$0x3] =	stream.linear.gather [hbm4b:s5+s3], $0x3200, $0x38;
	[tilespmem:$0x11400] =	vst v63  }
0x13: {  	_ =	swait.ge [sflag:s9], $0x3200  }
0x14: {  	[sflag:s9] =	ssyncset.done $0x0  }
0x15: {  	[sflag:s9] =	ssyncadd.s32 $0xFFFFCE00  }
0x16: {  	[tilespmem:s12], [sflag:$0x1] =	stream.indirect.gather [hbm4b:s4+s11], $0x40, s3, s11, $0xb8;
	[tilespmem:$0x11400] =	vst v63  }
0x17: {  	_ = 	snop  }
0x18: {  	[tilespmem:s14], [sflag:$0x1] =	stream.indirect.gather [hbm4b:s4+s11], $0x40, s13, s11, $0xb8;
	[tilespmem:$0x11400] =	vst v63  }
0x19: {  	_ = 	snop  }
0x1a: {  	[tilespmem:s16], [sflag:$0x1] =	stream.indirect.gather [hbm4b:s4+s11], $0x40, s15, s11, $0xb8;
	[tilespmem:$0x11400] =	vst v63  }
0x1b: {  	s26 =	simm.s32 $0x0  }
0x1c: {  	[tilespmem:s18], [sflag:$0x1] =	stream.indirect.gather [hbm4b:s4+s11], $0x40, s17, s11, $0xb8;
	[tilespmem:$0x11400] =	vst v63  }
.LBB2_2:
0x1d: {  	s28 =	sshllo.u32 s26, $0x1  }
0x1e: {  	s29 =	smul.u32 $0x680, s28;
	_ =	sdelay $0x1  }
0x1f: {  	s29 =	sshra.s32 s29, $0x2  }
0x20: {  	[tilespmem:s19], [sflag:$0x2] =	stream.indirect.gather [hbm4b:s4+s11], $0x40, s29, s11, $0xb8;
	[tilespmem:$0x11400] =	vst v63  }
0x21: {  	s30 =	sadd.s32 $0x68, s29  }
0x22: {  	[tilespmem:s20], [sflag:$0x2] =	stream.indirect.gather [hbm4b:s4+s11], $0x40, s30, s11, $0xb8;
	[tilespmem:$0x11400] =	vst v63  }
0x23: {  	s30 =	sadd.s32 $0xD0, s29  }
0x24: {  	[tilespmem:s21], [sflag:$0x2] =	stream.indirect.gather [hbm4b:s4+s11], $0x40, s30, s11, $0xb8;
	[tilespmem:$0x11400] =	vst v63  }
0x25: {  	s29 =	sadd.s32 $0x138, s29  }
0x26: {  	[tilespmem:s22], [sflag:$0x2] =	stream.indirect.gather [hbm4b:s4+s11], $0x40, s29, s11, $0xb8;
	[tilespmem:$0x11400] =	vst v63  }
0x27: {  	_ =	swait.ge [sflag:s23], $0x1900  }
0x28: {  	[sflag:s23] =	ssyncset.done $0x0  }
0x29: {  	[sflag:s23] =	ssyncadd.s32 $0xFFFFE700  }
0x2a: {  	_ =	swait.ge [sflag:s23], $0x1900  }
0x2b: {  	[sflag:s23] =	ssyncset.done $0x0  }
0x2c: {  	[sflag:s23] =	ssyncadd.s32 $0xFFFFE700  }
0x2d: {  	_ =	swait.ge [sflag:s23], $0x1900  }
0x2e: {  	[sflag:s23] =	ssyncset.done $0x0  }
0x2f: {  	[sflag:s23] =	ssyncadd.s32 $0xFFFFE700  }
0x30: {  	_ =	swait.ge [sflag:s23], $0x1900  }
0x31: {  	[sflag:s23] =	ssyncset.done $0x0  }
0x32: {  	s30 =	simm.s32 $0x100;
	s29 =	simm.s32 $0x0;
	[sflag:s23] =	ssyncadd.s32 $0xFFFFE700  }
.LBB2_3:
0x33: {  	p0 =	sne.s32 s30, $0xC700;
	v0 =	vld [tilespmem:s29+$0x1A30]  }
0x34: {  	v1 =	vld [tilespmem:s29+$0x1A00]  }
0x35: {  	v2 =	vld [tilespmem:s29+$0x1A10]  }
0x36: {  	v3 =	vld [tilespmem:s29+$0x1A20]  }
0x37: {  	v4 =	vld [tilespmem:s29+$0x1A30]  }
0x38: {  	[tilespmem:s29+$0x7E30] =	vst.add.f32.msk $0xffff, v0  }
0x39: {  	v0 =	vld [tilespmem:s29+$0x1A00]  }
0x3a: {  	v5 =	vld [tilespmem:s29+$0x1A10]  }
0x3b: {  	v6 =	vld [tilespmem:s29+$0x1A20]  }
0x3c: {  	[tilespmem:s29+$0x4C00] =	vst.add.f32.msk $0xffff, v1  }
0x3d: {  	[tilespmem:s29+$0x4C10] =	vst.add.f32.msk $0xffff, v2  }
.Ltmp0:
0x3e: {  	[tilespmem:s29+$0x4C20] =	vst.add.f32.msk $0xffff, v3;
	(pc) =	sbr.rel @p0 .LBB2_3-.Ltmp0, $4  }
0x3f: {  	[tilespmem:s29+$0x4C30] =	vst.add.f32.msk $0xffff, v4  }
0x40: {  	[tilespmem:s29+$0x7E00] =	vst.add.f32.msk $0xffff, v0  }
0x41: {  	[tilespmem:s29+$0x7E10] =	vst.add.f32.msk $0xffff, v5  }
0x42: {  	[tilespmem:s29+$0x7E20] =	vst.add.f32.msk $0xffff, v6;
	s29 =	sshra.s32 s30, $0x2;
	s30 =	sadd.s32 $0x100, s30  }
0x43: {  	v0 =	vld [tilespmem:s29+$0x1A30]  }
0x44: {  	v1 =	vld [tilespmem:s29+$0x1A00]  }
0x45: {  	v2 =	vld [tilespmem:s29+$0x1A10]  }
0x46: {  	v3 =	vld [tilespmem:s29+$0x1A20]  }
0x47: {  	v4 =	vld [tilespmem:s29+$0x1A30]  }
0x48: {  	v63 =	vld [tilespmem:s29+$0x1A00]  }
0x49: {  	v5 =	vld [tilespmem:s29+$0x1A10]  }
0x4a: {  	v6 =	vld [tilespmem:s29+$0x1A20]  }
0x4b: {  	[tilespmem:s29+$0x7E30] =	vst.add.f32.msk $0xffff, v0  }
0x4c: {  	[tilespmem:s29+$0x4C00] =	vst.add.f32.msk $0xffff, v1  }
0x4d: {  	[tilespmem:s29+$0x4C10] =	vst.add.f32.msk $0xffff, v2  }
0x4e: {  	s30 =	sshll.u32 s26, $0x2;
	[tilespmem:s29+$0x4C20] =	vst.add.f32.msk $0xffff, v3  }
0x4f: {  	s30 =	sadd.s32 s6, s30;
	[tilespmem:s29+$0x4C30] =	vst.add.f32.msk $0xffff, v4  }
0x50: {  	s30 =	smul.u32 $0x640, s30;
	[tilespmem:s29+$0x7E00] =	vst.add.f32.msk $0xffff, v63  }
0x51: {  	[tilespmem:s29+$0x7E10] =	vst.add.f32.msk $0xffff, v5  }
0x52: {  	p0 =	seq.s32 s26, $0x7;
	[tilespmem:s29+$0x7E20] =	vst.add.f32.msk $0xffff, v6;
	s29 =	sadd.s32 s2, s30  }
0x53: {  	[hbm4b:s29+s3] =	stream.linear.scatter [tilespmem:s12], [sflag:$0x3], $0x6400, $0x38;
	[tilespmem:$0x11400] =	vst v63  }
0x54: {  	s29 =	smul.u32 @!p0 $0xD00, s26  }
0x55: {  	_ =	swait.ge [sflag:s9], $0x6400  }
0x56: {  	s31 =	simm.s32 @!p0 $0x64;
	[sflag:s9] =	ssyncset.done $0x0;
	s29 =	sshra.s32 @!p0 s29, $0x2  }
0x57: {  	s1 =	simm.s32 @!p0 $0x4C00;
	[sflag:s9] =	ssyncadd.s32 $0xFFFF9C00;
	s30 =	sadd.s32 @!p0 $0x340, s29  }
0x58: {  	[tilespmem:s1], [sflag:$0x1] =	stream.indirect.gather @!p0 [hbm4b:s4+s31], $0x40, s30, s31, $0xb8;
	[tilespmem:$0x11400] =	vst v63  }
0x59: {  	s1 =	sadd.s32 @!p0 $0x3A8, s29;
	s30 =	simm.s32 @!p0 $0x6500  }
0x5a: {  	[tilespmem:s30], [sflag:$0x1] =	stream.indirect.gather @!p0 [hbm4b:s4+s31], $0x40, s1, s31, $0xb8;
	[tilespmem:$0x11400] =	vst v63  }
0x5b: {  	s1 =	sadd.s32 @!p0 $0x410, s29;
	s30 =	simm.s32 @!p0 $0x7E00  }
0x5c: {  	[tilespmem:s30], [sflag:$0x1] =	stream.indirect.gather @!p0 [hbm4b:s4+s31], $0x40, s1, s31, $0xb8;
	[tilespmem:$0x11400] =	vst v63  }
0x5d: {  	s1 =	sadd.s32 @!p0 $0x478, s29;
	s29 =	simm.s32 @!p0 $0x9700  }
0x5e: {  	[tilespmem:s29], [sflag:$0x1] =	stream.indirect.gather @!p0 [hbm4b:s4+s31], $0x40, s1, s31, $0xb8;
	[tilespmem:$0x11400] =	vst v63  }
0x5f: {  	_ =	swait.ge [sflag:s24], $0x1900  }
0x60: {  	[sflag:s24] =	ssyncset.done $0x0  }
0x61: {  	[sflag:s24] =	ssyncadd.s32 $0xFFFFE700  }
0x62: {  	_ =	swait.ge [sflag:s24], $0x1900  }
0x63: {  	[sflag:s24] =	ssyncset.done $0x0  }
0x64: {  	[sflag:s24] =	ssyncadd.s32 $0xFFFFE700  }
0x65: {  	_ =	swait.ge [sflag:s24], $0x1900  }
0x66: {  	[sflag:s24] =	ssyncset.done $0x0  }
0x67: {  	[sflag:s24] =	ssyncadd.s32 $0xFFFFE700  }
0x68: {  	_ =	swait.ge [sflag:s24], $0x1900  }
0x69: {  	[sflag:s24] =	ssyncset.done $0x0  }
0x6a: {  	s30 =	simm.s32 $0x100;
	s29 =	simm.s32 $0x0;
	[sflag:s24] =	ssyncadd.s32 $0xFFFFE700  }
.LBB2_5:
0x6b: {  	p0 =	sne.s32 s30, $0xC700;
	v0 =	vld [tilespmem:s29+$0x1A30]  }
0x6c: {  	v1 =	vld [tilespmem:s29+$0x1A00]  }
0x6d: {  	v2 =	vld [tilespmem:s29+$0x1A10]  }
0x6e: {  	v3 =	vld [tilespmem:s29+$0x1A20]  }
0x6f: {  	v4 =	vld [tilespmem:s29+$0x1A30]  }
0x70: {  	[tilespmem:s29+$0xE230] =	vst.add.f32.msk $0xffff, v0  }
0x71: {  	v0 =	vld [tilespmem:s29+$0x1A00]  }
0x72: {  	v5 =	vld [tilespmem:s29+$0x1A10]  }
0x73: {  	v6 =	vld [tilespmem:s29+$0x1A20]  }
0x74: {  	[tilespmem:s29+$0xB000] =	vst.add.f32.msk $0xffff, v1  }
0x75: {  	[tilespmem:s29+$0xB010] =	vst.add.f32.msk $0xffff, v2  }
.Ltmp1:
0x76: {  	[tilespmem:s29+$0xB020] =	vst.add.f32.msk $0xffff, v3;
	(pc) =	sbr.rel @p0 .LBB2_5-.Ltmp1, $4  }
0x77: {  	[tilespmem:s29+$0xB030] =	vst.add.f32.msk $0xffff, v4  }
0x78: {  	[tilespmem:s29+$0xE200] =	vst.add.f32.msk $0xffff, v0  }
0x79: {  	[tilespmem:s29+$0xE210] =	vst.add.f32.msk $0xffff, v5  }
0x7a: {  	[tilespmem:s29+$0xE220] =	vst.add.f32.msk $0xffff, v6;
	s29 =	sshra.s32 s30, $0x2;
	s30 =	sadd.s32 $0x100, s30  }
0x7b: {  	v0 =	vld [tilespmem:s29+$0x1A30]  }
0x7c: {  	v1 =	vld [tilespmem:s29+$0x1A00]  }
0x7d: {  	v2 =	vld [tilespmem:s29+$0x1A10]  }
0x7e: {  	v3 =	vld [tilespmem:s29+$0x1A20]  }
0x7f: {  	v4 =	vld [tilespmem:s29+$0x1A30]  }
0x80: {  	v63 =	vld [tilespmem:s29+$0x1A00]  }
0x81: {  	v5 =	vld [tilespmem:s29+$0x1A10]  }
0x82: {  	v6 =	vld [tilespmem:s29+$0x1A20]  }
0x83: {  	[tilespmem:s29+$0xE230] =	vst.add.f32.msk $0xffff, v0  }
0x84: {  	[tilespmem:s29+$0xB000] =	vst.add.f32.msk $0xffff, v1  }
0x85: {  	[tilespmem:s29+$0xB010] =	vst.add.f32.msk $0xffff, v2  }
0x86: {  	s1 =	sshll.u32 s28, $0x1;
	[tilespmem:s29+$0xB020] =	vst.add.f32.msk $0xffff, v3  }
0x87: {  	s1 =	sadd.s32 s6, s1;
	[tilespmem:s29+$0xB030] =	vst.add.f32.msk $0xffff, v4  }
0x88: {  	s26 =	sadd.s32 $0x1, s26;
	s1 =	smul.u32 $0x640, s1;
	[tilespmem:s29+$0xE200] =	vst.add.f32.msk $0xffff, v63  }
0x89: {  	p0 =	sne.s32 s26, $0x8;
	[tilespmem:s29+$0xE210] =	vst.add.f32.msk $0xffff, v5  }
.Ltmp2:
0x8a: {  	s1 =	sadd.s32 s2, s1;
	[tilespmem:s29+$0xE220] =	vst.add.f32.msk $0xffff, v6;
	(pc) =	sbr.rel @p0 .LBB2_2-.Ltmp2, $4  }
0x8b: {  	[hbm4b:s1+s3] =	stream.linear.scatter [tilespmem:s19], [sflag:$0x3], $0x6400, $0x38;
	[tilespmem:$0x11400] =	vst v63  }
0x8c: {  	_ =	swait.ge [sflag:s9], $0x6400  }
0x8d: {  	[sflag:s9] =	ssyncset.done $0x0  }
0x8e: {  	[sflag:s9] =	ssyncadd.s32 $0xFFFF9C00  }
0x8f: {  	s25 =	sadd.s32 $0x1, s25  }
0x90: {  	p0 =	sne.s32 s25, s8  }
.Ltmp3:
0x91: {  	_ = 	snop;
	(pc) =	sbr.rel @p0 .LBB2_1-.Ltmp3, $1  }
0x92: {  	_ =	sdelay $0x3  }
0x93: {  	_ =	sfence.sel $0x180000  }
0x94: {  	[bflag:$0x0] =	sbarrier.arrive $0xFFFF  }
0x95: {  	_ =	strace $0x90000047  }
0x96: {  	[bflag:$0x2] =	sbarrier.arrive $0xFFFF  }
0x97: {  	p0 =	sne.s32 s0, $0x0;
	s0 =	rddreg [dreg:$0x2]  }
0x98: {  	s0 =	sadd.s32 @!p0 $0x100000, s0  }
0x99: {  	[sflag:s0] =	ssyncadd.tile.s32 @!p0 $0x1;
	_ =	shalt  }
.Lfunc_end2:
_tile_overlayer_lowered:
.L_overlay_start_2:
0x9a: {  	(tag) =	ssettag $0x2  }
0x9b: {  	s0 =	rddreg [dreg:$0x0];
	s2 =	stileid.u32  }
0x9c: {  	s1 =	rddreg [dreg:$0x1];
	p0 =	sne.s32 s2, $0x0  }
0x9d: {  	s3 =	rddreg [dreg:$0x2];
	[bflag:$0x3] =	sbarrier.arrive $0xFFFF;
	s2 =	simm.s32 @!p0 $0x1C03  }
0x9e: {  	[timem:s3], [sflag:s2] =	dma.local @!p0 [hbm:s0], s1  }
0x9f: {  	s0 =	simm.s32 @!p0 $0x3  }
0xa0: {  	_ =	swait.ge @!p0 [sflag:s0], s1  }
0xa1: {  	s1 =	ssub.s32 @!p0 $0x0, s1;
	[sflag:s0] =	ssyncset.done @!p0 $0x0  }
0xa2: {  	[sflag:s0] =	ssyncadd.s32 @!p0 s1  }
0xa3: {  	[bflag:$0x3] =	sbarrier.arrive $0xFFFF  }
0xa4: {  	_ =	shalt  }

// kernel: sparse-core-data-format-call.cloned.1.call-start
scs
called_computation_lowered:
.L_overlay_start_0:
0x0: {  	s2 =	sld [smem:$0x3FD9]  }
0x1: {  	s3 =	sld [smem:$0x3FFE];
	_ =	sdelay $0x1  }
0x2: {  	s1 =	srdreg.scid  }
0x3: {  	s0 =	sand.u32 $0x1, s1  }
0x4: {  	s18 =	sshll.u32 s0, $0xA;
	s2 =	sadd.s32 s3, s2  }
0x5: {  	s2 =	sadd.s32 s2, s18  }
0x6: {  	[smem:$0x3FC5] =	sst s2  }
0x7: {  	_ = 	snop  }
0x8: {  	s2 =	sld [smem:$0x3FD0];
	(tm) =	ssettm $0x1  }
0x9: {  	s19 =	sld [smem:$0x3FFB];
	_ =	sdelay $0x3  }
0xa: {  	_ =	strace s19  }
0xb: {  	s3 =	sld [smem:$0x3FFC];
	_ =	sdelay $0x3  }
0xc: {  	_ =	strace s3  }
0xd: {  	s3 =	sld [smem:$0x3FFD];
	_ =	sdelay $0x3  }
0xe: {  	_ =	strace s3  }
0xf: {  	_ =	strace $0x8FFFFFFF  }
0x10: {  	s20 =	sld [smem:$0x3FDB];
	_ =	sdelay $0x1  }
0x11: {  	s4 =	simm.s32 $_scs_section_size  }
0x12: {  	s5 =	simm.s32 $_size__tile_overlayer_lowered;
	s6 =	simm.s32 $_tile_overlayer_lowered  }
0x13: {  	s23 =	simm.s32 $0x1BFF;
	s22 =	sshll.u32 s6, $0x1;
	s3 =	sadd.s32 s4, s20  }
0x14: {  	s7 =	simm.s32 $0x0;
	s21 =	sshll.u32 s5, $0x1;
	s5 =	sadd.s32 s22, s3  }
0x15: {  	[timem:s7], [sflag:s23] =	dma.local [hbm:s5], s21  }
0x16: {  	_ =	swait.ge [sflag:s23], s21  }
0x17: {  	s4 =	ssub.s32 $0x0, s21;
	[sflag:s23] =	ssyncset.done $0x0  }
0x18: {  	[sflag:s23] =	ssyncadd.s32 s4;
	_ =	sdelay $0x1  }
0x19: {  	s24 =	simm.s32 $0x1B8B  }
0x1a: {  	_ =	swait.ge [sflag:s24], $0x1  }
0x1b: {  	[sflag:s24] =	ssyncset.done $0x0  }
0x1c: {  	s26 =	simm.s32 $0x1B8E;
	s25 =	sld [smem:$0x3FFE];
	[sflag:s24] =	ssyncadd.s32 $0xFFFFFFFF  }
0x1d: {  	s27 =	simm.s32 $execute0_lowered;
	[smem:$0x3FD2] =	sst s26  }
0x1e: {  	s5 =	sshll.u32 s27, $0x1;
	_ =	strace $0x80000049;
	[dreg:$0x1] =	wrdreg $0xFFFFFFFF  }
0x1f: {  	s28 =	simm.s32 $_size_execute0_lowered;
	s3 =	sadd.s32 s3, s5;
	[dreg:$0x0] =	wrdreg $0x0  }
0x20: {  	s5 =	sshll.u32 s28, $0x1;
	[dreg:$0x2] =	wrdreg s3  }
0x21: {  	[dreg:$0x3] =	wrdreg s5  }
0x22: {  	[dreg:$0x4] =	wrdreg $0xC0  }
0x23: {  	_ =	task [dreg:s7], $0x5FFFF  }
0x24: {  	[dreg:$0x1] =	wrdreg $0xFFFFFFFF  }
0x25: {  	[dreg:$0x0] =	wrdreg $0x60  }
0x26: {  	[dreg:$0x2] =	wrdreg s25  }
0x27: {  	[dreg:$0x3] =	wrdreg s2  }
0x28: {  	[dreg:$0x4] =	wrdreg $0x9  }
0x29: {  	_ =	task.clear_ibuf [dreg:s7], $0x5FFFF;
	_ =	strace $0x90000049  }
0x2a: {  	s29 =	simm.s32 $0x9;
	_ =	strace $0x8000004B  }
0x2b: {  	_ =	swait.ge [sflag:s29], $0x1  }
0x2c: {  	[sflag:s29] =	ssyncadd.s32 $0xFFFFFFFF  }
0x2d: {  	_ =	strace $0x9000004B  }
0x2e: {  	_ =	sfence  }
0x2f: {  	s30 =	sld [smem:$0x0];
	_ =	sdelay $0x2  }
0x30: {  	s31 =	sshll.u32 s1, $0xD;
	s1 =	sshrl.u32 s1, $0x2  }
0x31: {  	s3 =	sand.u32 $0x4000, s31;
	s1 =	sadd.s32 s1, s30  }
0x32: {  	s0 =	sor.u32 s3, s0;
	s1 =	sshll.u32 s1, $0x11  }
0x33: {  	s0 =	sor.u32 s1, s0  }
0x34: {  	s0 =	sadd.s32 $0x8F2B, s0  }
0x35: {  	[sflag:s0] =	ssyncadd.remote.s32 $0x1  }
0x36: {  	_ =	sfence.sel $0xFFFF  }
0x37: {  	[dreg:$0x0] =	wrdreg $0xFFFFFFFF;
	(pc) =	sbr.abs _section_cstart, $3  }
0x38: {  	[dreg:$0x1] =	wrdreg $0xFFFFFFFF  }
0x39: {  	_ =	task.clear_ibuf [dreg:s7], $0x2FFFF;
	_ =	strace $0x9FFFFFFF  }
0x3a: {  	(tm) =	ssettm $0x7FFFFFFF  }
0x3b: {  	_ =	shalt  }
tec
execute0_lowered:
.L_overlay_start_1:
0x0: {  	(tag) =	ssettag $0x1  }
0x1: {  	s0 =	stileid.u32;
	s6 =	rddreg [dreg:$0x0]  }
0x2: {  	s2 =	rddreg [dreg:$0x1];
	s5 =	srdreg.scid  }
0x3: {  	s31 =	simm.s32 $0x2;
	s13 =	simm.s32 $0x0;
	s1 =	sshll.u32 s0, $0x7  }
0x4: {  	s14 =	simm.s32 $0x0;
	s12 =	simm.s32 $0x0;
	s3 =	sand.u32 $0x380, s1  }
0x5: {  	s5 =	sshll.u32 s5, $0x4;
	s6 =	sadd.s32 $0xC00, s6;
	s4 =	ssub.s32 $0x400, s3  }
0x6: {  	s1 =	rddreg [dreg:$0x2];
	_ =	strace $0x8000004A;
	s7 =	sand.u32 $0x380, s4  }
0x7: {  	s5 =	sand.u32 $0x10, s5;
	p0 =	sne.s32 s7, $0x0;
	s7 =	simm.s32 $0x1  }
.Ltmp0:
0x8: {  	s8 =	sshrl.u32 s4, $0xA;
	s7 =	simm.s32 @!p0 $0x0;
	(pc) =	sbr.rel .LBB1_1-.Ltmp0, $4  }
0x9: {  	s9 =	sor.u32 s0, s5;
	s4 =	simm.s32 $0x1;
	s30 =	sadd.s32 s7, s8  }
0xa: {  	s11 =	smov.u32 s3;
	[sflag:s4] =	ssyncpa.u1 $0x0;
	s5 =	smul.u32 $0x32, s30  }
0xb: {  	[sflag:s31] =	ssyncpa.u1 $0x0;
	p0 =	por $0x0, $0x0;
	s7 =	sshrl.u32 s9, $0x3  }
0xc: {  	s9 =	simm.s32 $0x2000;
	s10 =	smov.u32 s7;
	s8 =	sor.u32 $0x1, s5  }
.LBB1_4:
0xd: {  	s17 =	sand.u32 $0x1F80, s14;
	s13 =	sshll.u32 s13, $0xD  }
0xe: {  	[tilespmem:s16+$0x810 ss:$0x81] =	vst.msk $0xffff, v2;
	s18 =	sshrl.u32 s14, $0x3;
	s31 =	sand.u32 $0x7, s14;
	s17 =	sadd.s32 s2, s17  }
0xf: {  	[tilespmem:s16+$0x1020 ss:$0x81] =	vst.msk $0xffff, v0;
	s18 =	sand.u32 $0xF, s18;
	s14 =	sshll.u32 s31, $0x12;
	s13 =	sadd.s32 s13, s17  }
0x10: {  	[tilespmem:s16+$0x0 ss:$0x81] =	vst.msk $0xffff, v1;
	s14 =	sor.u32 $0x400, s14;
	s13 =	sadd.s32 s18, s13  }
0x11: {  	[hbm4b:s13+s14] =	stream.strided.scatter [tilespmem:s15], [sflag:$0x2], $0x2000, s9, s14, $0x20;
	[tilespmem:$0x8080] =	vst v63  }
.LBB1_5:
0x12: {  	s15 =	sadd.s32 $0x4, s10  }
0x13: {  	s13 =	sadd.s32 $0x400, s11;
	s17 =	smov.u32 s11;
	p2 =	sgt.s32 s15, $0xC7  }
0x14: {  	s17 =	smov.u32 @p2 s13  }
0x15: {  	s15 =	smov.u32 @p2 s7;
	p2 =	sgt.s32 s17, $0x3FF  }
0x16: {  	s17 =	smov.u32 @p2 s3;
	p2 =	sne.s32 s12, s8  }
.Ltmp1:
0x17: {  	p1 =	slt.u32 s12, $0x2;
	(pc) =	sbr.rel @!p2 .LBB1_6-.Ltmp1, $4  }
0x18: {  	s16 =	simm.s32 @!p1 $0x2  }
0x19: {  	s14 =	smov.u32 s11;
	p0 =	por !p0, !p0;
	_ =	swait.ge @!p1 [sflag:s16], $0x2000  }
0x1a: {  	s13 =	smov.u32 s10;
	[sflag:s16] =	ssyncset.done @!p1 $0x0;
	s10 =	smov.u32 s15  }
0x1b: {  	s12 =	sadd.s32 $0x1, s12;
	[sflag:s16] =	ssyncadd.s32 @!p1 $0xFFFFE000;
	s11 =	smov.u32 s17  }
.LBB1_1:
0x1c: {  	p1 =	sge.u32 s12, s5  }
0x1d: {  	s15 =	sand.u32 @!p1 $0x1FFFFFF, s10  }
0x1e: {  	s16 =	smulhi.u32 @!p1 $0x147AE15, s15;
	_ =	sdelay $0x1  }
0x1f: {  	s16 =	smul.u32 @!p1 $0xC8, s16  }
0x20: {  	s17 =	sxor.u32 @!p1 $0xFFFFFFFF, s12;
	s18 =	smul.u32 @!p1 $0xC80, s11  }
0x21: {  	s31 =	sadd.s32 $0xFFFFFFFF, s12;
	s17 =	sshll.u32 @!p1 s17, $0xD;
	s15 =	ssub.s32 @!p1 s15, s16  }
0x22: {  	s16 =	sand.u32 @!p1 $0x2000, s17;
	s17 =	sadd.s32 @!p1 s6, s18;
	s15 =	sshll.u32 @!p1 s15, $0x4  }
0x23: {  	s18 =	simm.s32 @!p1 $0x6400;
	s15 =	sadd.s32 @!p1 s15, s17;
	s17 =	simm.s32 @!p1 $0x40  }
0x24: {  	[tilespmem:s16], [sflag:$0x1] =	stream.strided.gather @!p1 [hbm4b:s15+s17], $0x2000, s18, s17, $0x38;
	[tilespmem:$0x8080] =	vst v63  }
0x25: {  	p1 =	sge.u32 s31, s5  }
.Ltmp2:
0x26: {  	_ = 	snop;
	(pc) =	sbr.rel @p1 .LBB1_5-.Ltmp2, $1  }
0x27: {  	_ =	sdelay $0x3  }
0x28: {  	s15 =	simm.s32 $0x1  }
0x29: {  	_ =	swait.ge [sflag:s4], $0x2000;
	s15 =	simm.s32 @!p0 $0x0  }
0x2a: {  	[sflag:s4] =	ssyncset.done $0x0;
	s16 =	sshll.u32 s15, $0xD  }
0x2b: {  	[sflag:s4] =	ssyncadd.s32 $0xFFFFE000;
	s19 =	sor.u32 $0x20, s16  }
0x2c: {  	s15 =	smul.u32 $0x8100, s15;
	v3 =	vld [tilespmem:s19+$0x10]  }
0x2d: {  	s30 =	sand.u32 $0x1, s12;
	v2 =	vld [tilespmem:s19+$0xFFFFFFF0]  }
0x2e: {  	s16 =	smul.u32 $0x8100, s30;
	s15 =	sshrl.u32 s15, $0x2;
	v0 =	vld [tilespmem:s19+$0x0]  }
0x2f: {  	v1 =	vld [tilespmem:s19+$0xFFFFFFE0];
	s17 =	sor.u32 $0x4000, s15  }
0x30: {  	s31 =	sshrl.u32 s16, $0x2;
	s16 =	sadd.s32 $0x0, s17  }
0x31: {  	s18 =	simm.s32 $0x4;
	s19 =	sadd.s32 $0x40, s19;
	s15 =	sor.u32 $0x4000, s31;
	[tilespmem:s16+$0x1830 ss:$0x81] =	vst.msk $0xffff, v3  }
.LBB1_3:
0x32: {  	v3 =	vld [tilespmem:s19+$0x10];
	p1 =	sne.s32 s18, $0x1FC;
	[tilespmem:s16+$0x810 ss:$0x81] =	vst.msk $0xffff, v2;
	s20 =	smov.u32 s18;
	s18 =	sadd.s32 $0x4, s18  }
.Ltmp3:
0x33: {  	v2 =	vld [tilespmem:s19+$0xFFFFFFF0];
	[tilespmem:s16+$0x1020 ss:$0x81] =	vst.msk $0xffff, v0;
	(pc) =	sbr.rel @p1 .LBB1_3-.Ltmp3, $4  }
0x34: {  	v0 =	vld [tilespmem:s19+$0x0];
	[tilespmem:s16+$0x0 ss:$0x81] =	vst.msk $0xffff, v1  }
0x35: {  	s16 =	sshra.s32 s20, $0x2;
	v1 =	vld [tilespmem:s19+$0xFFFFFFE0]  }
0x36: {  	s16 =	sadd.s32 s16, s17  }
0x37: {  	s19 =	sadd.s32 $0x40, s19;
	[tilespmem:s16+$0x1830 ss:$0x81] =	vst.msk $0xffff, v3  }
.Ltmp4:
0x38: {  	_ = 	snop;
	(pc) =	sbr.rel .LBB1_4-.Ltmp4, $1  }
0x39: {  	_ =	sdelay $0x3  }
.LBB1_6:
0x3a: {  	_ =	sfence.sel $0x180000  }
0x3b: {  	s2 =	simm.s32 $0x1;
	[bflag:$0x0] =	sbarrier.arrive $0xFFFF  }
0x3c: {  	s31 =	simm.s32 $0x2;
	[sflag:s2] =	ssyncpa.u1 $0x1  }
0x3d: {  	[sflag:s31] =	ssyncpa.u1 $0x1  }
0x3e: {  	p0 =	sne.s32 s0, $0x0;
	_ =	strace $0x9000004A  }
0x3f: {  	s0 =	sadd.s32 @!p0 $0x100000, s1;
	[bflag:$0x2] =	sbarrier.arrive $0xFFFF  }
0x40: {  	[sflag:s0] =	ssyncadd.tile.s32 @!p0 $0x1;
	_ =	shalt  }
.Lfunc_end1:
_tile_overlayer_lowered:
.L_overlay_start_2:
0x41: {  	(tag) =	ssettag $0x2  }
0x42: {  	s0 =	rddreg [dreg:$0x0];
	s2 =	stileid.u32  }
0x43: {  	s1 =	rddreg [dreg:$0x1];
	p0 =	sne.s32 s2, $0x0  }
0x44: {  	s3 =	rddreg [dreg:$0x2];
	[bflag:$0x3] =	sbarrier.arrive $0xFFFF;
	s2 =	simm.s32 @!p0 $0x1C01  }
0x45: {  	[timem:s3], [sflag:s2] =	dma.local @!p0 [hbm:s0], s1  }
0x46: {  	s0 =	simm.s32 @!p0 $0x1  }
0x47: {  	_ =	swait.ge @!p0 [sflag:s0], s1  }
0x48: {  	s1 =	ssub.s32 @!p0 $0x0, s1;
	[sflag:s0] =	ssyncset.done @!p0 $0x0  }
0x49: {  	[sflag:s0] =	ssyncadd.s32 @!p0 s1  }
0x4a: {  	[bflag:$0x3] =	sbarrier.arrive $0xFFFF  }
0x4b: {  	_ =	shalt  }

</sc_bundles>
